<compile_context>
chip_gen: v7x
topology: tpu7x:2x2x1
jax: 0.10.2.dev20260603
libtpu: 0.0.44.dev20260713+nightly
codegen_flags: <defaults>
</compile_context>

<pallas_src>
import jax
import jax.numpy as jnp
from jax import lax
from jax.experimental import pallas as pl
from jax.experimental.pallas import tpu as pltpu
from jax.experimental.pallas import tpu_sc as plsc

D = 64
EPS = 1e-5

NC = 2
NS = 16
NW = NC * NS

B = 4096
SEQ = 200
N = B * SEQ
NSLAB = 2
NS_ROWS = N // NSLAB
ROWS_W = NS_ROWS // NW
CHUNK = 256
NBUF = 5
NCHUNK = ROWS_W // CHUNK
NROUND = NCHUNK // NBUF


def _gather_body(idx_hbm, table_hbm, out_hbm, idx_v, *bufs_and_sems):
    bufs = bufs_and_sems[:NBUF]
    gsems = bufs_and_sems[NBUF:2 * NBUF]
    wsems = bufs_and_sems[2 * NBUF:3 * NBUF]

    wid = lax.axis_index("s") * NC + lax.axis_index("c")
    base = wid * ROWS_W
    pltpu.sync_copy(idx_hbm.at[pl.ds(base, ROWS_W)], idx_v)

    def gstart(k, j):
        pltpu.async_copy(
            table_hbm.at[idx_v.at[pl.ds(k * CHUNK, CHUNK)]],
            bufs[j], gsems[j],
        )

    def gwait(j):
        pltpu.make_async_copy(
            table_hbm.at[pl.ds(0, CHUNK)], bufs[j], gsems[j]).wait()

    def wstart(k, j):
        pltpu.async_copy(
            bufs[j], out_hbm.at[pl.ds(base + k * CHUNK, CHUNK)], wsems[j])

    def wwait(j):
        pltpu.make_async_copy(
            bufs[j], out_hbm.at[pl.ds(0, CHUNK)], wsems[j]).wait()

    for c in range(NBUF - 2):
        gstart(c, c)

    def round_body(r, carry):
        for j in range(NBUF):
            i = r * NBUF + j
            n = i + NBUF - 2
            jn = (j - 2) % NBUF

            @pl.when(n < NCHUNK)
            def _():
                @pl.when(n >= NBUF)
                def _():
                    wwait(jn)
                gstart(n, jn)

            gwait(j)
            wstart(i, j)
        return carry

    lax.fori_loop(0, NROUND, round_body, 0)

    for j in range(NBUF):
        wwait(j)


BLK = 8192
NBLK = NS_ROWS // BLK


def _ln_tc_body(x_ref, rows_ref, g_ref, b_ref, out_ref):
    rows = rows_ref[...]
    m = jnp.mean(rows, axis=1, keepdims=True)
    c = rows - m
    var = jnp.mean(c * c, axis=1, keepdims=True)
    rstd = lax.rsqrt(var + EPS)
    mask = (x_ref[...] != 0).astype(jnp.float32)
    out_ref[...] = (c * (rstd * mask)) * g_ref[...] + b_ref[...]


@jax.jit
def kernel(x, table, gamma, beta):
    idx1d = x.reshape(N)
    g2 = gamma.reshape(1, D)
    b2 = beta.reshape(1, D)

    outs = []
    for s in range(NSLAB):
        idx_s = lax.slice(idx1d, (s * NS_ROWS,), ((s + 1) * NS_ROWS,))
        gathered = pl.kernel(
            _gather_body,
            out_type=jax.ShapeDtypeStruct((NS_ROWS, D), jnp.float32),
            mesh=plsc.VectorSubcoreMesh(
                core_axis_name="c", subcore_axis_name="s"),
            compiler_params=pltpu.CompilerParams(use_tc_tiling_on_sc=False),
            scratch_types=(
                [pltpu.VMEM((ROWS_W,), jnp.int32)]
                + [pltpu.VMEM((CHUNK, D), jnp.float32) for _ in range(NBUF)]
                + [pltpu.SemaphoreType.DMA for _ in range(2 * NBUF)]
            ),
        )(idx_s, table)

        outs.append(pl.pallas_call(
            _ln_tc_body,
            grid=(NBLK,),
            in_specs=[
                pl.BlockSpec((BLK, 1), lambda i: (i, 0)),
                pl.BlockSpec((BLK, D), lambda i: (i, 0)),
                pl.BlockSpec((1, D), lambda i: (0, 0)),
                pl.BlockSpec((1, D), lambda i: (0, 0)),
            ],
            out_specs=pl.BlockSpec((BLK, D), lambda i: (i, 0)),
            out_shape=jax.ShapeDtypeStruct((NS_ROWS, D), jnp.float32),
        )(idx_s.reshape(NS_ROWS, 1), gathered, g2, b2))

    return jnp.concatenate(outs, axis=0).reshape(B, SEQ, D)

# --- scband reference (transcript-rebuilt; emitter-appended) ---
"""Pipeline reference for scband-channel-embedding-18769007084644 (READ-ONLY COPY).

The authoritative reference and input builder live on the scoring server;
editing this copy changes nothing except your own understanding.
"""

import jax, jax.numpy as jnp
import numpy as np

VOCAB = 1000000
EMBED_DIM = 64
B = 4096
L = 200
PADDING_IDX = 0
EPS = 1e-5


def setup_inputs(seed: int = 0) -> dict:
    key = jax.random.key(seed)
    k1, k2 = jax.random.split(key, 2)
    x = jax.random.randint(k1, (B, L), 0, VOCAB, dtype=jnp.int32)
    table = jax.random.normal(k2, (VOCAB, EMBED_DIM), dtype=jnp.float32)
    gamma = jnp.ones((EMBED_DIM,), dtype=jnp.float32)
    beta = jnp.zeros((EMBED_DIM,), dtype=jnp.float32)
    return {"x": x, "table": table, "gamma": gamma, "beta": beta}


def reference(x, table, gamma, beta):
    # nn.Embedding with padding_idx: that row is zero
    table_eff = table.at[PADDING_IDX].set(jnp.zeros((EMBED_DIM,), dtype=table.dtype))
    emb = jnp.take(table_eff, x, axis=0)  # (B, L, D) gather
    # LayerNorm over last dim with affine params
    mean = jnp.mean(emb, axis=-1, keepdims=True)
    var = jnp.mean((emb - mean) ** 2, axis=-1, keepdims=True)
    normed = (emb - mean) / jnp.sqrt(var + EPS)
    out = normed * gamma + beta
    return out

if __name__ == "__main__":
    import jax
    _d = setup_inputs()
    print(jax.jit(kernel)(*tuple(_d.values())))

</pallas_src>

<mosaic_0001>
#map = affine_map<(d0, d1) -> (0)>
#map1 = affine_map<(d0, d1) -> (0, 0)>
module attributes {stable_mosaic.version = 14 : i64} {
  func.func @_gather_body(%arg0: i32, %arg1: i32, %arg2: memref<409600xi32, #tpu.memory_space<hbm>>, %arg3: memref<1000000x64xf32, #tpu.memory_space<hbm>>, %arg4: memref<409600x64xf32, #tpu.memory_space<hbm>>, %arg5: memref<12800xi32, #tpu.memory_space<vmem>>, %arg6: memref<256x64xf32, #tpu.memory_space<vmem>>, %arg7: memref<256x64xf32, #tpu.memory_space<vmem>>, %arg8: memref<256x64xf32, #tpu.memory_space<vmem>>, %arg9: memref<256x64xf32, #tpu.memory_space<vmem>>, %arg10: memref<256x64xf32, #tpu.memory_space<vmem>>, %arg11: memref<!tpu.dma_semaphore, #tpu.memory_space<semaphore_mem>>, %arg12: memref<!tpu.dma_semaphore, #tpu.memory_space<semaphore_mem>>, %arg13: memref<!tpu.dma_semaphore, #tpu.memory_space<semaphore_mem>>, %arg14: memref<!tpu.dma_semaphore, #tpu.memory_space<semaphore_mem>>, %arg15: memref<!tpu.dma_semaphore, #tpu.memory_space<semaphore_mem>>, %arg16: memref<!tpu.dma_semaphore, #tpu.memory_space<semaphore_mem>>, %arg17: memref<!tpu.dma_semaphore, #tpu.memory_space<semaphore_mem>>, %arg18: memref<!tpu.dma_semaphore, #tpu.memory_space<semaphore_mem>>, %arg19: memref<!tpu.dma_semaphore, #tpu.memory_space<semaphore_mem>>, %arg20: memref<!tpu.dma_semaphore, #tpu.memory_space<semaphore_mem>>) attributes {dimension_semantics = [#tpu.dimension_semantics<core_parallel>, #tpu.dimension_semantics<subcore_parallel>], iteration_bounds = array<i64: 2, 16>, scalar_prefetch = 0 : i64, scratch_operands = 16 : i64, tpu.core_type = #tpu.core_type<sc_vector_subcore>, window_params = [{transform_indices = #map}, {transform_indices = #map1}, {transform_indices = #map1}]} {
    %mul3A = arith.constant 2 : i32
    %mul3A_0 = arith.muli %arg1, %mul3A : i32
    %add3A = arith.addi %mul3A_0, %arg0 : i32
    %mul3A_1 = arith.constant 12800 : i32
    %mul3A_2 = arith.muli %add3A, %mul3A_1 : i32
    "tpu.region"() ({
      %run_scoped3A = tpu.sem_alloc : memref<!tpu.dma_semaphore, #tpu.memory_space<semaphore_mem>>
      %dma_start3A_51 = tpu.memref_slice %arg2[%mul3A_2] : memref<409600xi32, #tpu.memory_space<hbm>> -> memref<12800xi32, #tpu.memory_space<hbm>>
      %dma_start3A_52 = tpu.memref_slice %arg2[%mul3A_2] : memref<409600xi32, #tpu.memory_space<hbm>> -> memref<12800xi32, #tpu.memory_space<hbm>>
      tpu.enqueue_dma source(%dma_start3A_52 : memref<12800xi32, #tpu.memory_space<hbm>>) target(%arg5 : memref<12800xi32, #tpu.memory_space<vmem>>) target_semaphore(%run_scoped3A : memref<!tpu.dma_semaphore, #tpu.memory_space<semaphore_mem>>)
      %dma_wait3A_53 = tpu.memref_slice %arg2[%mul3A_2] : memref<409600xi32, #tpu.memory_space<hbm>> -> memref<12800xi32, #tpu.memory_space<hbm>>
      %dma_wait3A_54 = tpu.memref_slice %arg2[%mul3A_2] : memref<409600xi32, #tpu.memory_space<hbm>> -> memref<12800xi32, #tpu.memory_space<hbm>>
      tpu.wait_dma2 semaphore(%run_scoped3A : memref<!tpu.dma_semaphore, #tpu.memory_space<semaphore_mem>>) src(%dma_wait3A_54 : memref<12800xi32, #tpu.memory_space<hbm>>) dst(%arg5 : memref<12800xi32, #tpu.memory_space<vmem>>)
      tpu.yield
    }) : () -> ()
    %dma_start3A = arith.constant 0 : i32
    %dma_start3A_3 = tpu.memref_slice %arg5[%dma_start3A] : memref<12800xi32, #tpu.memory_space<vmem>> -> memref<256xi32, #tpu.memory_space<vmem>>
    %dma_start3A_4 = arith.constant 0 : i32
    %dma_start3A_5 = arith.constant 0 : i32
    %dma_start3A_6 = tpu.memref_slice %arg3[%dma_start3A_4, %dma_start3A_5] : memref<1000000x64xf32, #tpu.memory_space<hbm>> -> memref<1000000x64xf32, #tpu.memory_space<hbm>>
    tpu.enqueue_indirect_dma source(%dma_start3A_6 : memref<1000000x64xf32, #tpu.memory_space<hbm>>) target(%arg6 : memref<256x64xf32, #tpu.memory_space<vmem>>) offsets(%dma_start3A_3 : memref<256xi32, #tpu.memory_space<vmem>>) semaphore(%arg11 : memref<!tpu.dma_semaphore, #tpu.memory_space<semaphore_mem>>)
    %dma_start3A_7 = arith.constant 256 : i32
    %dma_start3A_8 = tpu.memref_slice %arg5[%dma_start3A_7] : memref<12800xi32, #tpu.memory_space<vmem>> -> memref<256xi32, #tpu.memory_space<vmem>>
    %dma_start3A_9 = arith.constant 0 : i32
    %dma_start3A_10 = arith.constant 0 : i32
    %dma_start3A_11 = tpu.memref_slice %arg3[%dma_start3A_9, %dma_start3A_10] : memref<1000000x64xf32, #tpu.memory_space<hbm>> -> memref<1000000x64xf32, #tpu.memory_space<hbm>>
    tpu.enqueue_indirect_dma source(%dma_start3A_11 : memref<1000000x64xf32, #tpu.memory_space<hbm>>) target(%arg7 : memref<256x64xf32, #tpu.memory_space<vmem>>) offsets(%dma_start3A_8 : memref<256xi32, #tpu.memory_space<vmem>>) semaphore(%arg12 : memref<!tpu.dma_semaphore, #tpu.memory_space<semaphore_mem>>)
    %dma_start3A_12 = arith.constant 512 : i32
    %dma_start3A_13 = tpu.memref_slice %arg5[%dma_start3A_12] : memref<12800xi32, #tpu.memory_space<vmem>> -> memref<256xi32, #tpu.memory_space<vmem>>
    %dma_start3A_14 = arith.constant 0 : i32
    %dma_start3A_15 = arith.constant 0 : i32
    %dma_start3A_16 = tpu.memref_slice %arg3[%dma_start3A_14, %dma_start3A_15] : memref<1000000x64xf32, #tpu.memory_space<hbm>> -> memref<1000000x64xf32, #tpu.memory_space<hbm>>
    tpu.enqueue_indirect_dma source(%dma_start3A_16 : memref<1000000x64xf32, #tpu.memory_space<hbm>>) target(%arg8 : memref<256x64xf32, #tpu.memory_space<vmem>>) offsets(%dma_start3A_13 : memref<256xi32, #tpu.memory_space<vmem>>) semaphore(%arg13 : memref<!tpu.dma_semaphore, #tpu.memory_space<semaphore_mem>>)
    %scan3A = arith.constant 0 : i32
    %scan3A_17 = arith.constant 0 : i32
    %scan3A_18 = arith.constant 10 : i32
    %scan3A_19 = arith.addi %scan3A_17, %scan3A_18 : i32
    %scan3A_20 = arith.constant 1 : i32
    scf.for %scan3A_51 = %scan3A_17 to %scan3A_19 step %scan3A_20  : i32 {
      %mul3A_52 = arith.constant 5 : i32
      %mul3A_53 = arith.muli %scan3A_51, %mul3A_52 : i32
      %add3A_54 = arith.constant 0 : i32
      %add3A_55 = arith.addi %mul3A_53, %add3A_54 : i32
      %add3A_56 = arith.constant 5 : i32
      %add3A_57 = arith.addi %add3A_55, %add3A_56 : i32
      %sub3A = arith.constant 2 : i32
      %sub3A_58 = arith.subi %add3A_57, %sub3A : i32
      %lt3A = arith.constant 50 : i32
      %lt3A_59 = arith.cmpi slt, %sub3A_58, %lt3A : i32
      %convert_element_type3A = arith.extui %lt3A_59 : i1 to i32
      %cond3A = arith.constant 0 : i32
      %cond3A_60 = arith.cmpi ne, %convert_element_type3A, %cond3A : i32
      scf.if %cond3A_60 {
        %ge3A = arith.constant 5 : i32
        %ge3A_178 = arith.cmpi sge, %sub3A_58, %ge3A : i32
        %convert_element_type3A_179 = arith.extui %ge3A_178 : i1 to i32
        %cond3A_180 = arith.constant 0 : i32
        %cond3A_181 = arith.cmpi ne, %convert_element_type3A_179, %cond3A_180 : i32
        scf.if %cond3A_181 {
          %dma_wait3A_188 = arith.constant 0 : i32
          %dma_wait3A_189 = arith.constant 0 : i32
          %dma_wait3A_190 = tpu.memref_slice %arg4[%dma_wait3A_188, %dma_wait3A_189] : memref<409600x64xf32, #tpu.memory_space<hbm>> -> memref<256x64xf32, #tpu.memory_space<hbm>>
          %dma_wait3A_191 = arith.constant 0 : i32
          %dma_wait3A_192 = arith.constant 0 : i32
          %dma_wait3A_193 = tpu.memref_slice %arg4[%dma_wait3A_191, %dma_wait3A_192] : memref<409600x64xf32, #tpu.memory_space<hbm>> -> memref<256x64xf32, #tpu.memory_space<hbm>>
          tpu.wait_dma2 semaphore(%arg19 : memref<!tpu.dma_semaphore, #tpu.memory_space<semaphore_mem>>) src(%arg9 : memref<256x64xf32, #tpu.memory_space<vmem>>) dst(%dma_wait3A_193 : memref<256x64xf32, #tpu.memory_space<hbm>>)
        } else {
        }
        %mul3A_182 = arith.constant 256 : i32
        %mul3A_183 = arith.muli %sub3A_58, %mul3A_182 : i32
        %dma_start3A_184 = tpu.memref_slice %arg5[%mul3A_183] : memref<12800xi32, #tpu.memory_space<vmem>> -> memref<256xi32, #tpu.memory_space<vmem>>
        %dma_start3A_185 = arith.constant 0 : i32
        %dma_start3A_186 = arith.constant 0 : i32
        %dma_start3A_187 = tpu.memref_slice %arg3[%dma_start3A_185, %dma_start3A_186] : memref<1000000x64xf32, #tpu.memory_space<hbm>> -> memref<1000000x64xf32, #tpu.memory_space<hbm>>
        tpu.enqueue_indirect_dma source(%dma_start3A_187 : memref<1000000x64xf32, #tpu.memory_space<hbm>>) target(%arg9 : memref<256x64xf32, #tpu.memory_space<vmem>>) offsets(%dma_start3A_184 : memref<256xi32, #tpu.memory_space<vmem>>) semaphore(%arg14 : memref<!tpu.dma_semaphore, #tpu.memory_space<semaphore_mem>>)
      } else {
      }
      %dma_wait3A_61 = arith.constant 0 : i32
      %dma_wait3A_62 = arith.constant 0 : i32
      %dma_wait3A_63 = tpu.memref_slice %arg3[%dma_wait3A_61, %dma_wait3A_62] : memref<1000000x64xf32, #tpu.memory_space<hbm>> -> memref<256x64xf32, #tpu.memory_space<hbm>>
      %dma_wait3A_64 = arith.constant 0 : i32
      %dma_wait3A_65 = arith.constant 0 : i32
      %dma_wait3A_66 = tpu.memref_slice %arg3[%dma_wait3A_64, %dma_wait3A_65] : memref<1000000x64xf32, #tpu.memory_space<hbm>> -> memref<256x64xf32, #tpu.memory_space<hbm>>
      tpu.wait_dma2 semaphore(%arg11 : memref<!tpu.dma_semaphore, #tpu.memory_space<semaphore_mem>>) src(%dma_wait3A_66 : memref<256x64xf32, #tpu.memory_space<hbm>>) dst(%arg6 : memref<256x64xf32, #tpu.memory_space<vmem>>)
      %mul3A_67 = arith.constant 256 : i32
      %mul3A_68 = arith.muli %add3A_55, %mul3A_67 : i32
      %add3A_69 = arith.addi %mul3A_2, %mul3A_68 : i32
      %dma_start3A_70 = arith.constant 0 : i32
      %dma_start3A_71 = tpu.memref_slice %arg4[%add3A_69, %dma_start3A_70] : memref<409600x64xf32, #tpu.memory_space<hbm>> -> memref<256x64xf32, #tpu.memory_space<hbm>>
      %dma_start3A_72 = arith.constant 0 : i32
      %dma_start3A_73 = tpu.memref_slice %arg4[%add3A_69, %dma_start3A_72] : memref<409600x64xf32, #tpu.memory_space<hbm>> -> memref<256x64xf32, #tpu.memory_space<hbm>>
      tpu.enqueue_dma source(%arg6 : memref<256x64xf32, #tpu.memory_space<vmem>>) target(%dma_start3A_73 : memref<256x64xf32, #tpu.memory_space<hbm>>) target_semaphore(%arg16 : memref<!tpu.dma_semaphore, #tpu.memory_space<semaphore_mem>>)
      %mul3A_74 = arith.constant 5 : i32
      %mul3A_75 = arith.muli %scan3A_51, %mul3A_74 : i32
      %add3A_76 = arith.constant 1 : i32
      %add3A_77 = arith.addi %mul3A_75, %add3A_76 : i32
      %add3A_78 = arith.constant 5 : i32
      %add3A_79 = arith.addi %add3A_77, %add3A_78 : i32
      %sub3A_80 = arith.constant 2 : i32
      %sub3A_81 = arith.subi %add3A_79, %sub3A_80 : i32
      %lt3A_82 = arith.constant 50 : i32
      %lt3A_83 = arith.cmpi slt, %sub3A_81, %lt3A_82 : i32
      %convert_element_type3A_84 = arith.extui %lt3A_83 : i1 to i32
      %cond3A_85 = arith.constant 0 : i32
      %cond3A_86 = arith.cmpi ne, %convert_element_type3A_84, %cond3A_85 : i32
      scf.if %cond3A_86 {
        %ge3A = arith.constant 5 : i32
        %ge3A_178 = arith.cmpi sge, %sub3A_81, %ge3A : i32
        %convert_element_type3A_179 = arith.extui %ge3A_178 : i1 to i32
        %cond3A_180 = arith.constant 0 : i32
        %cond3A_181 = arith.cmpi ne, %convert_element_type3A_179, %cond3A_180 : i32
        scf.if %cond3A_181 {
          %dma_wait3A_188 = arith.constant 0 : i32
          %dma_wait3A_189 = arith.constant 0 : i32
          %dma_wait3A_190 = tpu.memref_slice %arg4[%dma_wait3A_188, %dma_wait3A_189] : memref<409600x64xf32, #tpu.memory_space<hbm>> -> memref<256x64xf32, #tpu.memory_space<hbm>>
          %dma_wait3A_191 = arith.constant 0 : i32
          %dma_wait3A_192 = arith.constant 0 : i32
          %dma_wait3A_193 = tpu.memref_slice %arg4[%dma_wait3A_191, %dma_wait3A_192] : memref<409600x64xf32, #tpu.memory_space<hbm>> -> memref<256x64xf32, #tpu.memory_space<hbm>>
          tpu.wait_dma2 semaphore(%arg20 : memref<!tpu.dma_semaphore, #tpu.memory_space<semaphore_mem>>) src(%arg10 : memref<256x64xf32, #tpu.memory_space<vmem>>) dst(%dma_wait3A_193 : memref<256x64xf32, #tpu.memory_space<hbm>>)
        } else {
        }
        %mul3A_182 = arith.constant 256 : i32
        %mul3A_183 = arith.muli %sub3A_81, %mul3A_182 : i32
        %dma_start3A_184 = tpu.memref_slice %arg5[%mul3A_183] : memref<12800xi32, #tpu.memory_space<vmem>> -> memref<256xi32, #tpu.memory_space<vmem>>
        %dma_start3A_185 = arith.constant 0 : i32
        %dma_start3A_186 = arith.constant 0 : i32
        %dma_start3A_187 = tpu.memref_slice %arg3[%dma_start3A_185, %dma_start3A_186] : memref<1000000x64xf32, #tpu.memory_space<hbm>> -> memref<1000000x64xf32, #tpu.memory_space<hbm>>
        tpu.enqueue_indirect_dma source(%dma_start3A_187 : memref<1000000x64xf32, #tpu.memory_space<hbm>>) target(%arg10 : memref<256x64xf32, #tpu.memory_space<vmem>>) offsets(%dma_start3A_184 : memref<256xi32, #tpu.memory_space<vmem>>) semaphore(%arg15 : memref<!tpu.dma_semaphore, #tpu.memory_space<semaphore_mem>>)
      } else {
      }
      %dma_wait3A_87 = arith.constant 0 : i32
      %dma_wait3A_88 = arith.constant 0 : i32
      %dma_wait3A_89 = tpu.memref_slice %arg3[%dma_wait3A_87, %dma_wait3A_88] : memref<1000000x64xf32, #tpu.memory_space<hbm>> -> memref<256x64xf32, #tpu.memory_space<hbm>>
      %dma_wait3A_90 = arith.constant 0 : i32
      %dma_wait3A_91 = arith.constant 0 : i32
      %dma_wait3A_92 = tpu.memref_slice %arg3[%dma_wait3A_90, %dma_wait3A_91] : memref<1000000x64xf32, #tpu.memory_space<hbm>> -> memref<256x64xf32, #tpu.memory_space<hbm>>
      tpu.wait_dma2 semaphore(%arg12 : memref<!tpu.dma_semaphore, #tpu.memory_space<semaphore_mem>>) src(%dma_wait3A_92 : memref<256x64xf32, #tpu.memory_space<hbm>>) dst(%arg7 : memref<256x64xf32, #tpu.memory_space<vmem>>)
      %mul3A_93 = arith.constant 256 : i32
      %mul3A_94 = arith.muli %add3A_77, %mul3A_93 : i32
      %add3A_95 = arith.addi %mul3A_2, %mul3A_94 : i32
      %dma_start3A_96 = arith.constant 0 : i32
      %dma_start3A_97 = tpu.memref_slice %arg4[%add3A_95, %dma_start3A_96] : memref<409600x64xf32, #tpu.memory_space<hbm>> -> memref<256x64xf32, #tpu.memory_space<hbm>>
      %dma_start3A_98 = arith.constant 0 : i32
      %dma_start3A_99 = tpu.memref_slice %arg4[%add3A_95, %dma_start3A_98] : memref<409600x64xf32, #tpu.memory_space<hbm>> -> memref<256x64xf32, #tpu.memory_space<hbm>>
      tpu.enqueue_dma source(%arg7 : memref<256x64xf32, #tpu.memory_space<vmem>>) target(%dma_start3A_99 : memref<256x64xf32, #tpu.memory_space<hbm>>) target_semaphore(%arg17 : memref<!tpu.dma_semaphore, #tpu.memory_space<semaphore_mem>>)
      %mul3A_100 = arith.constant 5 : i32
      %mul3A_101 = arith.muli %scan3A_51, %mul3A_100 : i32
      %add3A_102 = arith.constant 2 : i32
      %add3A_103 = arith.addi %mul3A_101, %add3A_102 : i32
      %add3A_104 = arith.constant 5 : i32
      %add3A_105 = arith.addi %add3A_103, %add3A_104 : i32
      %sub3A_106 = arith.constant 2 : i32
      %sub3A_107 = arith.subi %add3A_105, %sub3A_106 : i32
      %lt3A_108 = arith.constant 50 : i32
      %lt3A_109 = arith.cmpi slt, %sub3A_107, %lt3A_108 : i32
      %convert_element_type3A_110 = arith.extui %lt3A_109 : i1 to i32
      %cond3A_111 = arith.constant 0 : i32
      %cond3A_112 = arith.cmpi ne, %convert_element_type3A_110, %cond3A_111 : i32
      scf.if %cond3A_112 {
        %ge3A = arith.constant 5 : i32
        %ge3A_178 = arith.cmpi sge, %sub3A_107, %ge3A : i32
        %convert_element_type3A_179 = arith.extui %ge3A_178 : i1 to i32
        %cond3A_180 = arith.constant 0 : i32
        %cond3A_181 = arith.cmpi ne, %convert_element_type3A_179, %cond3A_180 : i32
        scf.if %cond3A_181 {
          %dma_wait3A_188 = arith.constant 0 : i32
          %dma_wait3A_189 = arith.constant 0 : i32
          %dma_wait3A_190 = tpu.memref_slice %arg4[%dma_wait3A_188, %dma_wait3A_189] : memref<409600x64xf32, #tpu.memory_space<hbm>> -> memref<256x64xf32, #tpu.memory_space<hbm>>
          %dma_wait3A_191 = arith.constant 0 : i32
          %dma_wait3A_192 = arith.constant 0 : i32
          %dma_wait3A_193 = tpu.memref_slice %arg4[%dma_wait3A_191, %dma_wait3A_192] : memref<409600x64xf32, #tpu.memory_space<hbm>> -> memref<256x64xf32, #tpu.memory_space<hbm>>
          tpu.wait_dma2 semaphore(%arg16 : memref<!tpu.dma_semaphore, #tpu.memory_space<semaphore_mem>>) src(%arg6 : memref<256x64xf32, #tpu.memory_space<vmem>>) dst(%dma_wait3A_193 : memref<256x64xf32, #tpu.memory_space<hbm>>)
        } else {
        }
        %mul3A_182 = arith.constant 256 : i32
        %mul3A_183 = arith.muli %sub3A_107, %mul3A_182 : i32
        %dma_start3A_184 = tpu.memref_slice %arg5[%mul3A_183] : memref<12800xi32, #tpu.memory_space<vmem>> -> memref<256xi32, #tpu.memory_space<vmem>>
        %dma_start3A_185 = arith.constant 0 : i32
        %dma_start3A_186 = arith.constant 0 : i32
        %dma_start3A_187 = tpu.memref_slice %arg3[%dma_start3A_185, %dma_start3A_186] : memref<1000000x64xf32, #tpu.memory_space<hbm>> -> memref<1000000x64xf32, #tpu.memory_space<hbm>>
        tpu.enqueue_indirect_dma source(%dma_start3A_187 : memref<1000000x64xf32, #tpu.memory_space<hbm>>) target(%arg6 : memref<256x64xf32, #tpu.memory_space<vmem>>) offsets(%dma_start3A_184 : memref<256xi32, #tpu.memory_space<vmem>>) semaphore(%arg11 : memref<!tpu.dma_semaphore, #tpu.memory_space<semaphore_mem>>)
      } else {
      }
      %dma_wait3A_113 = arith.constant 0 : i32
      %dma_wait3A_114 = arith.constant 0 : i32
      %dma_wait3A_115 = tpu.memref_slice %arg3[%dma_wait3A_113, %dma_wait3A_114] : memref<1000000x64xf32, #tpu.memory_space<hbm>> -> memref<256x64xf32, #tpu.memory_space<hbm>>
      %dma_wait3A_116 = arith.constant 0 : i32
      %dma_wait3A_117 = arith.constant 0 : i32
      %dma_wait3A_118 = tpu.memref_slice %arg3[%dma_wait3A_116, %dma_wait3A_117] : memref<1000000x64xf32, #tpu.memory_space<hbm>> -> memref<256x64xf32, #tpu.memory_space<hbm>>
      tpu.wait_dma2 semaphore(%arg13 : memref<!tpu.dma_semaphore, #tpu.memory_space<semaphore_mem>>) src(%dma_wait3A_118 : memref<256x64xf32, #tpu.memory_space<hbm>>) dst(%arg8 : memref<256x64xf32, #tpu.memory_space<vmem>>)
      %mul3A_119 = arith.constant 256 : i32
      %mul3A_120 = arith.muli %add3A_103, %mul3A_119 : i32
      %add3A_121 = arith.addi %mul3A_2, %mul3A_120 : i32
      %dma_start3A_122 = arith.constant 0 : i32
      %dma_start3A_123 = tpu.memref_slice %arg4[%add3A_121, %dma_start3A_122] : memref<409600x64xf32, #tpu.memory_space<hbm>> -> memref<256x64xf32, #tpu.memory_space<hbm>>
      %dma_start3A_124 = arith.constant 0 : i32
      %dma_start3A_125 = tpu.memref_slice %arg4[%add3A_121, %dma_start3A_124] : memref<409600x64xf32, #tpu.memory_space<hbm>> -> memref<256x64xf32, #tpu.memory_space<hbm>>
      tpu.enqueue_dma source(%arg8 : memref<256x64xf32, #tpu.memory_space<vmem>>) target(%dma_start3A_125 : memref<256x64xf32, #tpu.memory_space<hbm>>) target_semaphore(%arg18 : memref<!tpu.dma_semaphore, #tpu.memory_space<semaphore_mem>>)
      %mul3A_126 = arith.constant 5 : i32
      %mul3A_127 = arith.muli %scan3A_51, %mul3A_126 : i32
      %add3A_128 = arith.constant 3 : i32
      %add3A_129 = arith.addi %mul3A_127, %add3A_128 : i32
      %add3A_130 = arith.constant 5 : i32
      %add3A_131 = arith.addi %add3A_129, %add3A_130 : i32
      %sub3A_132 = arith.constant 2 : i32
      %sub3A_133 = arith.subi %add3A_131, %sub3A_132 : i32
      %lt3A_134 = arith.constant 50 : i32
      %lt3A_135 = arith.cmpi slt, %sub3A_133, %lt3A_134 : i32
      %convert_element_type3A_136 = arith.extui %lt3A_135 : i1 to i32
      %cond3A_137 = arith.constant 0 : i32
      %cond3A_138 = arith.cmpi ne, %convert_element_type3A_136, %cond3A_137 : i32
      scf.if %cond3A_138 {
        %ge3A = arith.constant 5 : i32
        %ge3A_178 = arith.cmpi sge, %sub3A_133, %ge3A : i32
        %convert_element_type3A_179 = arith.extui %ge3A_178 : i1 to i32
        %cond3A_180 = arith.constant 0 : i32
        %cond3A_181 = arith.cmpi ne, %convert_element_type3A_179, %cond3A_180 : i32
        scf.if %cond3A_181 {
          %dma_wait3A_188 = arith.constant 0 : i32
          %dma_wait3A_189 = arith.constant 0 : i32
          %dma_wait3A_190 = tpu.memref_slice %arg4[%dma_wait3A_188, %dma_wait3A_189] : memref<409600x64xf32, #tpu.memory_space<hbm>> -> memref<256x64xf32, #tpu.memory_space<hbm>>
          %dma_wait3A_191 = arith.constant 0 : i32
          %dma_wait3A_192 = arith.constant 0 : i32
          %dma_wait3A_193 = tpu.memref_slice %arg4[%dma_wait3A_191, %dma_wait3A_192] : memref<409600x64xf32, #tpu.memory_space<hbm>> -> memref<256x64xf32, #tpu.memory_space<hbm>>
          tpu.wait_dma2 semaphore(%arg17 : memref<!tpu.dma_semaphore, #tpu.memory_space<semaphore_mem>>) src(%arg7 : memref<256x64xf32, #tpu.memory_space<vmem>>) dst(%dma_wait3A_193 : memref<256x64xf32, #tpu.memory_space<hbm>>)
        } else {
        }
        %mul3A_182 = arith.constant 256 : i32
        %mul3A_183 = arith.muli %sub3A_133, %mul3A_182 : i32
        %dma_start3A_184 = tpu.memref_slice %arg5[%mul3A_183] : memref<12800xi32, #tpu.memory_space<vmem>> -> memref<256xi32, #tpu.memory_space<vmem>>
        %dma_start3A_185 = arith.constant 0 : i32
        %dma_start3A_186 = arith.constant 0 : i32
        %dma_start3A_187 = tpu.memref_slice %arg3[%dma_start3A_185, %dma_start3A_186] : memref<1000000x64xf32, #tpu.memory_space<hbm>> -> memref<1000000x64xf32, #tpu.memory_space<hbm>>
        tpu.enqueue_indirect_dma source(%dma_start3A_187 : memref<1000000x64xf32, #tpu.memory_space<hbm>>) target(%arg7 : memref<256x64xf32, #tpu.memory_space<vmem>>) offsets(%dma_start3A_184 : memref<256xi32, #tpu.memory_space<vmem>>) semaphore(%arg12 : memref<!tpu.dma_semaphore, #tpu.memory_space<semaphore_mem>>)
      } else {
      }
      %dma_wait3A_139 = arith.constant 0 : i32
      %dma_wait3A_140 = arith.constant 0 : i32
      %dma_wait3A_141 = tpu.memref_slice %arg3[%dma_wait3A_139, %dma_wait3A_140] : memref<1000000x64xf32, #tpu.memory_space<hbm>> -> memref<256x64xf32, #tpu.memory_space<hbm>>
      %dma_wait3A_142 = arith.constant 0 : i32
      %dma_wait3A_143 = arith.constant 0 : i32
      %dma_wait3A_144 = tpu.memref_slice %arg3[%dma_wait3A_142, %dma_wait3A_143] : memref<1000000x64xf32, #tpu.memory_space<hbm>> -> memref<256x64xf32, #tpu.memory_space<hbm>>
      tpu.wait_dma2 semaphore(%arg14 : memref<!tpu.dma_semaphore, #tpu.memory_space<semaphore_mem>>) src(%dma_wait3A_144 : memref<256x64xf32, #tpu.memory_space<hbm>>) dst(%arg9 : memref<256x64xf32, #tpu.memory_space<vmem>>)
      %mul3A_145 = arith.constant 256 : i32
      %mul3A_146 = arith.muli %add3A_129, %mul3A_145 : i32
      %add3A_147 = arith.addi %mul3A_2, %mul3A_146 : i32
      %dma_start3A_148 = arith.constant 0 : i32
      %dma_start3A_149 = tpu.memref_slice %arg4[%add3A_147, %dma_start3A_148] : memref<409600x64xf32, #tpu.memory_space<hbm>> -> memref<256x64xf32, #tpu.memory_space<hbm>>
      %dma_start3A_150 = arith.constant 0 : i32
      %dma_start3A_151 = tpu.memref_slice %arg4[%add3A_147, %dma_start3A_150] : memref<409600x64xf32, #tpu.memory_space<hbm>> -> memref<256x64xf32, #tpu.memory_space<hbm>>
      tpu.enqueue_dma source(%arg9 : memref<256x64xf32, #tpu.memory_space<vmem>>) target(%dma_start3A_151 : memref<256x64xf32, #tpu.memory_space<hbm>>) target_semaphore(%arg19 : memref<!tpu.dma_semaphore, #tpu.memory_space<semaphore_mem>>)
      %mul3A_152 = arith.constant 5 : i32
      %mul3A_153 = arith.muli %scan3A_51, %mul3A_152 : i32
      %add3A_154 = arith.constant 4 : i32
      %add3A_155 = arith.addi %mul3A_153, %add3A_154 : i32
      %add3A_156 = arith.constant 5 : i32
      %add3A_157 = arith.addi %add3A_155, %add3A_156 : i32
      %sub3A_158 = arith.constant 2 : i32
      %sub3A_159 = arith.subi %add3A_157, %sub3A_158 : i32
      %lt3A_160 = arith.constant 50 : i32
      %lt3A_161 = arith.cmpi slt, %sub3A_159, %lt3A_160 : i32
      %convert_element_type3A_162 = arith.extui %lt3A_161 : i1 to i32
      %cond3A_163 = arith.constant 0 : i32
      %cond3A_164 = arith.cmpi ne, %convert_element_type3A_162, %cond3A_163 : i32
      scf.if %cond3A_164 {
        %ge3A = arith.constant 5 : i32
        %ge3A_178 = arith.cmpi sge, %sub3A_159, %ge3A : i32
        %convert_element_type3A_179 = arith.extui %ge3A_178 : i1 to i32
        %cond3A_180 = arith.constant 0 : i32
        %cond3A_181 = arith.cmpi ne, %convert_element_type3A_179, %cond3A_180 : i32
        scf.if %cond3A_181 {
          %dma_wait3A_188 = arith.constant 0 : i32
          %dma_wait3A_189 = arith.constant 0 : i32
          %dma_wait3A_190 = tpu.memref_slice %arg4[%dma_wait3A_188, %dma_wait3A_189] : memref<409600x64xf32, #tpu.memory_space<hbm>> -> memref<256x64xf32, #tpu.memory_space<hbm>>
          %dma_wait3A_191 = arith.constant 0 : i32
          %dma_wait3A_192 = arith.constant 0 : i32
          %dma_wait3A_193 = tpu.memref_slice %arg4[%dma_wait3A_191, %dma_wait3A_192] : memref<409600x64xf32, #tpu.memory_space<hbm>> -> memref<256x64xf32, #tpu.memory_space<hbm>>
          tpu.wait_dma2 semaphore(%arg18 : memref<!tpu.dma_semaphore, #tpu.memory_space<semaphore_mem>>) src(%arg8 : memref<256x64xf32, #tpu.memory_space<vmem>>) dst(%dma_wait3A_193 : memref<256x64xf32, #tpu.memory_space<hbm>>)
        } else {
        }
        %mul3A_182 = arith.constant 256 : i32
        %mul3A_183 = arith.muli %sub3A_159, %mul3A_182 : i32
        %dma_start3A_184 = tpu.memref_slice %arg5[%mul3A_183] : memref<12800xi32, #tpu.memory_space<vmem>> -> memref<256xi32, #tpu.memory_space<vmem>>
        %dma_start3A_185 = arith.constant 0 : i32
        %dma_start3A_186 = arith.constant 0 : i32
        %dma_start3A_187 = tpu.memref_slice %arg3[%dma_start3A_185, %dma_start3A_186] : memref<1000000x64xf32, #tpu.memory_space<hbm>> -> memref<1000000x64xf32, #tpu.memory_space<hbm>>
        tpu.enqueue_indirect_dma source(%dma_start3A_187 : memref<1000000x64xf32, #tpu.memory_space<hbm>>) target(%arg8 : memref<256x64xf32, #tpu.memory_space<vmem>>) offsets(%dma_start3A_184 : memref<256xi32, #tpu.memory_space<vmem>>) semaphore(%arg13 : memref<!tpu.dma_semaphore, #tpu.memory_space<semaphore_mem>>)
      } else {
      }
      %dma_wait3A_165 = arith.constant 0 : i32
      %dma_wait3A_166 = arith.constant 0 : i32
      %dma_wait3A_167 = tpu.memref_slice %arg3[%dma_wait3A_165, %dma_wait3A_166] : memref<1000000x64xf32, #tpu.memory_space<hbm>> -> memref<256x64xf32, #tpu.memory_space<hbm>>
      %dma_wait3A_168 = arith.constant 0 : i32
      %dma_wait3A_169 = arith.constant 0 : i32
      %dma_wait3A_170 = tpu.memref_slice %arg3[%dma_wait3A_168, %dma_wait3A_169] : memref<1000000x64xf32, #tpu.memory_space<hbm>> -> memref<256x64xf32, #tpu.memory_space<hbm>>
      tpu.wait_dma2 semaphore(%arg15 : memref<!tpu.dma_semaphore, #tpu.memory_space<semaphore_mem>>) src(%dma_wait3A_170 : memref<256x64xf32, #tpu.memory_space<hbm>>) dst(%arg10 : memref<256x64xf32, #tpu.memory_space<vmem>>)
      %mul3A_171 = arith.constant 256 : i32
      %mul3A_172 = arith.muli %add3A_155, %mul3A_171 : i32
      %add3A_173 = arith.addi %mul3A_2, %mul3A_172 : i32
      %dma_start3A_174 = arith.constant 0 : i32
      %dma_start3A_175 = tpu.memref_slice %arg4[%add3A_173, %dma_start3A_174] : memref<409600x64xf32, #tpu.memory_space<hbm>> -> memref<256x64xf32, #tpu.memory_space<hbm>>
      %dma_start3A_176 = arith.constant 0 : i32
      %dma_start3A_177 = tpu.memref_slice %arg4[%add3A_173, %dma_start3A_176] : memref<409600x64xf32, #tpu.memory_space<hbm>> -> memref<256x64xf32, #tpu.memory_space<hbm>>
      tpu.enqueue_dma source(%arg10 : memref<256x64xf32, #tpu.memory_space<vmem>>) target(%dma_start3A_177 : memref<256x64xf32, #tpu.memory_space<hbm>>) target_semaphore(%arg20 : memref<!tpu.dma_semaphore, #tpu.memory_space<semaphore_mem>>)
    }
    %scan3A_21 = arith.constant 10 : i32
    %dma_wait3A = arith.constant 0 : i32
    %dma_wait3A_22 = arith.constant 0 : i32
    %dma_wait3A_23 = tpu.memref_slice %arg4[%dma_wait3A, %dma_wait3A_22] : memref<409600x64xf32, #tpu.memory_space<hbm>> -> memref<256x64xf32, #tpu.memory_space<hbm>>
    %dma_wait3A_24 = arith.constant 0 : i32
    %dma_wait3A_25 = arith.constant 0 : i32
    %dma_wait3A_26 = tpu.memref_slice %arg4[%dma_wait3A_24, %dma_wait3A_25] : memref<409600x64xf32, #tpu.memory_space<hbm>> -> memref<256x64xf32, #tpu.memory_space<hbm>>
    tpu.wait_dma2 semaphore(%arg16 : memref<!tpu.dma_semaphore, #tpu.memory_space<semaphore_mem>>) src(%arg6 : memref<256x64xf32, #tpu.memory_space<vmem>>) dst(%dma_wait3A_26 : memref<256x64xf32, #tpu.memory_space<hbm>>)
    %dma_wait3A_27 = arith.constant 0 : i32
    %dma_wait3A_28 = arith.constant 0 : i32
    %dma_wait3A_29 = tpu.memref_slice %arg4[%dma_wait3A_27, %dma_wait3A_28] : memref<409600x64xf32, #tpu.memory_space<hbm>> -> memref<256x64xf32, #tpu.memory_space<hbm>>
    %dma_wait3A_30 = arith.constant 0 : i32
    %dma_wait3A_31 = arith.constant 0 : i32
    %dma_wait3A_32 = tpu.memref_slice %arg4[%dma_wait3A_30, %dma_wait3A_31] : memref<409600x64xf32, #tpu.memory_space<hbm>> -> memref<256x64xf32, #tpu.memory_space<hbm>>
    tpu.wait_dma2 semaphore(%arg17 : memref<!tpu.dma_semaphore, #tpu.memory_space<semaphore_mem>>) src(%arg7 : memref<256x64xf32, #tpu.memory_space<vmem>>) dst(%dma_wait3A_32 : memref<256x64xf32, #tpu.memory_space<hbm>>)
    %dma_wait3A_33 = arith.constant 0 : i32
    %dma_wait3A_34 = arith.constant 0 : i32
    %dma_wait3A_35 = tpu.memref_slice %arg4[%dma_wait3A_33, %dma_wait3A_34] : memref<409600x64xf32, #tpu.memory_space<hbm>> -> memref<256x64xf32, #tpu.memory_space<hbm>>
    %dma_wait3A_36 = arith.constant 0 : i32
    %dma_wait3A_37 = arith.constant 0 : i32
    %dma_wait3A_38 = tpu.memref_slice %arg4[%dma_wait3A_36, %dma_wait3A_37] : memref<409600x64xf32, #tpu.memory_space<hbm>> -> memref<256x64xf32, #tpu.memory_space<hbm>>
    tpu.wait_dma2 semaphore(%arg18 : memref<!tpu.dma_semaphore, #tpu.memory_space<semaphore_mem>>) src(%arg8 : memref<256x64xf32, #tpu.memory_space<vmem>>) dst(%dma_wait3A_38 : memref<256x64xf32, #tpu.memory_space<hbm>>)
    %dma_wait3A_39 = arith.constant 0 : i32
    %dma_wait3A_40 = arith.constant 0 : i32
    %dma_wait3A_41 = tpu.memref_slice %arg4[%dma_wait3A_39, %dma_wait3A_40] : memref<409600x64xf32, #tpu.memory_space<hbm>> -> memref<256x64xf32, #tpu.memory_space<hbm>>
    %dma_wait3A_42 = arith.constant 0 : i32
    %dma_wait3A_43 = arith.constant 0 : i32
    %dma_wait3A_44 = tpu.memref_slice %arg4[%dma_wait3A_42, %dma_wait3A_43] : memref<409600x64xf32, #tpu.memory_space<hbm>> -> memref<256x64xf32, #tpu.memory_space<hbm>>
    tpu.wait_dma2 semaphore(%arg19 : memref<!tpu.dma_semaphore, #tpu.memory_space<semaphore_mem>>) src(%arg9 : memref<256x64xf32, #tpu.memory_space<vmem>>) dst(%dma_wait3A_44 : memref<256x64xf32, #tpu.memory_space<hbm>>)
    %dma_wait3A_45 = arith.constant 0 : i32
    %dma_wait3A_46 = arith.constant 0 : i32
    %dma_wait3A_47 = tpu.memref_slice %arg4[%dma_wait3A_45, %dma_wait3A_46] : memref<409600x64xf32, #tpu.memory_space<hbm>> -> memref<256x64xf32, #tpu.memory_space<hbm>>
    %dma_wait3A_48 = arith.constant 0 : i32
    %dma_wait3A_49 = arith.constant 0 : i32
    %dma_wait3A_50 = tpu.memref_slice %arg4[%dma_wait3A_48, %dma_wait3A_49] : memref<409600x64xf32, #tpu.memory_space<hbm>> -> memref<256x64xf32, #tpu.memory_space<hbm>>
    tpu.wait_dma2 semaphore(%arg20 : memref<!tpu.dma_semaphore, #tpu.memory_space<semaphore_mem>>) src(%arg10 : memref<256x64xf32, #tpu.memory_space<vmem>>) dst(%dma_wait3A_50 : memref<256x64xf32, #tpu.memory_space<hbm>>)
    return
  }
}

#map = affine_map<(d0, d1) -> (0)>
#map1 = affine_map<(d0, d1) -> (0, 0)>
module attributes {stable_mosaic.version = 14 : i64} {
  func.func @_gather_body(%arg0: i32, %arg1: i32, %arg2: memref<409600xi32, #tpu.memory_space<hbm>>, %arg3: memref<1000000x64xf32, #tpu.memory_space<hbm>>, %arg4: memref<409600x64xf32, #tpu.memory_space<hbm>>, %arg5: memref<12800xi32, #tpu.memory_space<vmem>>, %arg6: memref<256x64xf32, #tpu.memory_space<vmem>>, %arg7: memref<256x64xf32, #tpu.memory_space<vmem>>, %arg8: memref<256x64xf32, #tpu.memory_space<vmem>>, %arg9: memref<256x64xf32, #tpu.memory_space<vmem>>, %arg10: memref<256x64xf32, #tpu.memory_space<vmem>>, %arg11: memref<!tpu.dma_semaphore, #tpu.memory_space<semaphore_mem>>, %arg12: memref<!tpu.dma_semaphore, #tpu.memory_space<semaphore_mem>>, %arg13: memref<!tpu.dma_semaphore, #tpu.memory_space<semaphore_mem>>, %arg14: memref<!tpu.dma_semaphore, #tpu.memory_space<semaphore_mem>>, %arg15: memref<!tpu.dma_semaphore, #tpu.memory_space<semaphore_mem>>, %arg16: memref<!tpu.dma_semaphore, #tpu.memory_space<semaphore_mem>>, %arg17: memref<!tpu.dma_semaphore, #tpu.memory_space<semaphore_mem>>, %arg18: memref<!tpu.dma_semaphore, #tpu.memory_space<semaphore_mem>>, %arg19: memref<!tpu.dma_semaphore, #tpu.memory_space<semaphore_mem>>, %arg20: memref<!tpu.dma_semaphore, #tpu.memory_space<semaphore_mem>>) attributes {dimension_semantics = [#tpu.dimension_semantics<core_parallel>, #tpu.dimension_semantics<subcore_parallel>], iteration_bounds = array<i64: 2, 16>, scalar_prefetch = 0 : i64, scratch_operands = 16 : i64, tpu.core_type = #tpu.core_type<sc_vector_subcore>, window_params = [{transform_indices = #map}, {transform_indices = #map1}, {transform_indices = #map1}]} {
    %mul3A = arith.constant 2 : i32
    %mul3A_0 = arith.muli %arg1, %mul3A : i32
    %add3A = arith.addi %mul3A_0, %arg0 : i32
    %mul3A_1 = arith.constant 12800 : i32
    %mul3A_2 = arith.muli %add3A, %mul3A_1 : i32
    "tpu.region"() ({
      %run_scoped3A = tpu.sem_alloc : memref<!tpu.dma_semaphore, #tpu.memory_space<semaphore_mem>>
      %dma_start3A_51 = tpu.memref_slice %arg2[%mul3A_2] : memref<409600xi32, #tpu.memory_space<hbm>> -> memref<12800xi32, #tpu.memory_space<hbm>>
      %dma_start3A_52 = tpu.memref_slice %arg2[%mul3A_2] : memref<409600xi32, #tpu.memory_space<hbm>> -> memref<12800xi32, #tpu.memory_space<hbm>>
      tpu.enqueue_dma source(%dma_start3A_52 : memref<12800xi32, #tpu.memory_space<hbm>>) target(%arg5 : memref<12800xi32, #tpu.memory_space<vmem>>) target_semaphore(%run_scoped3A : memref<!tpu.dma_semaphore, #tpu.memory_space<semaphore_mem>>)
      %dma_wait3A_53 = tpu.memref_slice %arg2[%mul3A_2] : memref<409600xi32, #tpu.memory_space<hbm>> -> memref<12800xi32, #tpu.memory_space<hbm>>
      %dma_wait3A_54 = tpu.memref_slice %arg2[%mul3A_2] : memref<409600xi32, #tpu.memory_space<hbm>> -> memref<12800xi32, #tpu.memory_space<hbm>>
      tpu.wait_dma2 semaphore(%run_scoped3A : memref<!tpu.dma_semaphore, #tpu.memory_space<semaphore_mem>>) src(%dma_wait3A_54 : memref<12800xi32, #tpu.memory_space<hbm>>) dst(%arg5 : memref<12800xi32, #tpu.memory_space<vmem>>)
      tpu.yield
    }) : () -> ()
    %dma_start3A = arith.constant 0 : i32
    %dma_start3A_3 = tpu.memref_slice %arg5[%dma_start3A] : memref<12800xi32, #tpu.memory_space<vmem>> -> memref<256xi32, #tpu.memory_space<vmem>>
    %dma_start3A_4 = arith.constant 0 : i32
    %dma_start3A_5 = arith.constant 0 : i32
    %dma_start3A_6 = tpu.memref_slice %arg3[%dma_start3A_4, %dma_start3A_5] : memref<1000000x64xf32, #tpu.memory_space<hbm>> -> memref<1000000x64xf32, #tpu.memory_space<hbm>>
    tpu.enqueue_indirect_dma source(%dma_start3A_6 : memref<1000000x64xf32, #tpu.memory_space<hbm>>) target(%arg6 : memref<256x64xf32, #tpu.memory_space<vmem>>) offsets(%dma_start3A_3 : memref<256xi32, #tpu.memory_space<vmem>>) semaphore(%arg11 : memref<!tpu.dma_semaphore, #tpu.memory_space<semaphore_mem>>)
    %dma_start3A_7 = arith.constant 256 : i32
    %dma_start3A_8 = tpu.memref_slice %arg5[%dma_start3A_7] : memref<12800xi32, #tpu.memory_space<vmem>> -> memref<256xi32, #tpu.memory_space<vmem>>
    %dma_start3A_9 = arith.constant 0 : i32
    %dma_start3A_10 = arith.constant 0 : i32
    %dma_start3A_11 = tpu.memref_slice %arg3[%dma_start3A_9, %dma_start3A_10] : memref<1000000x64xf32, #tpu.memory_space<hbm>> -> memref<1000000x64xf32, #tpu.memory_space<hbm>>
    tpu.enqueue_indirect_dma source(%dma_start3A_11 : memref<1000000x64xf32, #tpu.memory_space<hbm>>) target(%arg7 : memref<256x64xf32, #tpu.memory_space<vmem>>) offsets(%dma_start3A_8 : memref<256xi32, #tpu.memory_space<vmem>>) semaphore(%arg12 : memref<!tpu.dma_semaphore, #tpu.memory_space<semaphore_mem>>)
    %dma_start3A_12 = arith.constant 512 : i32
    %dma_start3A_13 = tpu.memref_slice %arg5[%dma_start3A_12] : memref<12800xi32, #tpu.memory_space<vmem>> -> memref<256xi32, #tpu.memory_space<vmem>>
    %dma_start3A_14 = arith.constant 0 : i32
    %dma_start3A_15 = arith.constant 0 : i32
    %dma_start3A_16 = tpu.memref_slice %arg3[%dma_start3A_14, %dma_start3A_15] : memref<1000000x64xf32, #tpu.memory_space<hbm>> -> memref<1000000x64xf32, #tpu.memory_space<hbm>>
    tpu.enqueue_indirect_dma source(%dma_start3A_16 : memref<1000000x64xf32, #tpu.memory_space<hbm>>) target(%arg8 : memref<256x64xf32, #tpu.memory_space<vmem>>) offsets(%dma_start3A_13 : memref<256xi32, #tpu.memory_space<vmem>>) semaphore(%arg13 : memref<!tpu.dma_semaphore, #tpu.memory_space<semaphore_mem>>)
    %scan3A = arith.constant 0 : i32
    %scan3A_17 = arith.constant 0 : i32
    %scan3A_18 = arith.constant 10 : i32
    %scan3A_19 = arith.addi %scan3A_17, %scan3A_18 : i32
    %scan3A_20 = arith.constant 1 : i32
    scf.for %scan3A_51 = %scan3A_17 to %scan3A_19 step %scan3A_20  : i32 {
      %mul3A_52 = arith.constant 5 : i32
      %mul3A_53 = arith.muli %scan3A_51, %mul3A_52 : i32
      %add3A_54 = arith.constant 0 : i32
      %add3A_55 = arith.addi %mul3A_53, %add3A_54 : i32
      %add3A_56 = arith.constant 5 : i32
      %add3A_57 = arith.addi %add3A_55, %add3A_56 : i32
      %sub3A = arith.constant 2 : i32
      %sub3A_58 = arith.subi %add3A_57, %sub3A : i32
      %lt3A = arith.constant 50 : i32
      %lt3A_59 = arith.cmpi slt, %sub3A_58, %lt3A : i32
      %convert_element_type3A = arith.extui %lt3A_59 : i1 to i32
      %cond3A = arith.constant 0 : i32
      %cond3A_60 = arith.cmpi ne, %convert_element_type3A, %cond3A : i32
      scf.if %cond3A_60 {
        %ge3A = arith.constant 5 : i32
        %ge3A_178 = arith.cmpi sge, %sub3A_58, %ge3A : i32
        %convert_element_type3A_179 = arith.extui %ge3A_178 : i1 to i32
        %cond3A_180 = arith.constant 0 : i32
        %cond3A_181 = arith.cmpi ne, %convert_element_type3A_179, %cond3A_180 : i32
        scf.if %cond3A_181 {
          %dma_wait3A_188 = arith.constant 0 : i32
          %dma_wait3A_189 = arith.constant 0 : i32
          %dma_wait3A_190 = tpu.memref_slice %arg4[%dma_wait3A_188, %dma_wait3A_189] : memref<409600x64xf32, #tpu.memory_space<hbm>> -> memref<256x64xf32, #tpu.memory_space<hbm>>
          %dma_wait3A_191 = arith.constant 0 : i32
          %dma_wait3A_192 = arith.constant 0 : i32
          %dma_wait3A_193 = tpu.memref_slice %arg4[%dma_wait3A_191, %dma_wait3A_192] : memref<409600x64xf32, #tpu.memory_space<hbm>> -> memref<256x64xf32, #tpu.memory_space<hbm>>
          tpu.wait_dma2 semaphore(%arg19 : memref<!tpu.dma_semaphore, #tpu.memory_space<semaphore_mem>>) src(%arg9 : memref<256x64xf32, #tpu.memory_space<vmem>>) dst(%dma_wait3A_193 : memref<256x64xf32, #tpu.memory_space<hbm>>)
        } else {
        }
        %mul3A_182 = arith.constant 256 : i32
        %mul3A_183 = arith.muli %sub3A_58, %mul3A_182 : i32
        %dma_start3A_184 = tpu.memref_slice %arg5[%mul3A_183] : memref<12800xi32, #tpu.memory_space<vmem>> -> memref<256xi32, #tpu.memory_space<vmem>>
        %dma_start3A_185 = arith.constant 0 : i32
        %dma_start3A_186 = arith.constant 0 : i32
        %dma_start3A_187 = tpu.memref_slice %arg3[%dma_start3A_185, %dma_start3A_186] : memref<1000000x64xf32, #tpu.memory_space<hbm>> -> memref<1000000x64xf32, #tpu.memory_space<hbm>>
        tpu.enqueue_indirect_dma source(%dma_start3A_187 : memref<1000000x64xf32, #tpu.memory_space<hbm>>) target(%arg9 : memref<256x64xf32, #tpu.memory_space<vmem>>) offsets(%dma_start3A_184 : memref<256xi32, #tpu.memory_space<vmem>>) semaphore(%arg14 : memref<!tpu.dma_semaphore, #tpu.memory_space<semaphore_mem>>)
      } else {
      }
      %dma_wait3A_61 = arith.constant 0 : i32
      %dma_wait3A_62 = arith.constant 0 : i32
      %dma_wait3A_63 = tpu.memref_slice %arg3[%dma_wait3A_61, %dma_wait3A_62] : memref<1000000x64xf32, #tpu.memory_space<hbm>> -> memref<256x64xf32, #tpu.memory_space<hbm>>
      %dma_wait3A_64 = arith.constant 0 : i32
      %dma_wait3A_65 = arith.constant 0 : i32
      %dma_wait3A_66 = tpu.memref_slice %arg3[%dma_wait3A_64, %dma_wait3A_65] : memref<1000000x64xf32, #tpu.memory_space<hbm>> -> memref<256x64xf32, #tpu.memory_space<hbm>>
      tpu.wait_dma2 semaphore(%arg11 : memref<!tpu.dma_semaphore, #tpu.memory_space<semaphore_mem>>) src(%dma_wait3A_66 : memref<256x64xf32, #tpu.memory_space<hbm>>) dst(%arg6 : memref<256x64xf32, #tpu.memory_space<vmem>>)
      %mul3A_67 = arith.constant 256 : i32
      %mul3A_68 = arith.muli %add3A_55, %mul3A_67 : i32
      %add3A_69 = arith.addi %mul3A_2, %mul3A_68 : i32
      %dma_start3A_70 = arith.constant 0 : i32
      %dma_start3A_71 = tpu.memref_slice %arg4[%add3A_69, %dma_start3A_70] : memref<409600x64xf32, #tpu.memory_space<hbm>> -> memref<256x64xf32, #tpu.memory_space<hbm>>
      %dma_start3A_72 = arith.constant 0 : i32
      %dma_start3A_73 = tpu.memref_slice %arg4[%add3A_69, %dma_start3A_72] : memref<409600x64xf32, #tpu.memory_space<hbm>> -> memref<256x64xf32, #tpu.memory_space<hbm>>
      tpu.enqueue_dma source(%arg6 : memref<256x64xf32, #tpu.memory_space<vmem>>) target(%dma_start3A_73 : memref<256x64xf32, #tpu.memory_space<hbm>>) target_semaphore(%arg16 : memref<!tpu.dma_semaphore, #tpu.memory_space<semaphore_mem>>)
      %mul3A_74 = arith.constant 5 : i32
      %mul3A_75 = arith.muli %scan3A_51, %mul3A_74 : i32
      %add3A_76 = arith.constant 1 : i32
      %add3A_77 = arith.addi %mul3A_75, %add3A_76 : i32
      %add3A_78 = arith.constant 5 : i32
      %add3A_79 = arith.addi %add3A_77, %add3A_78 : i32
      %sub3A_80 = arith.constant 2 : i32
      %sub3A_81 = arith.subi %add3A_79, %sub3A_80 : i32
      %lt3A_82 = arith.constant 50 : i32
      %lt3A_83 = arith.cmpi slt, %sub3A_81, %lt3A_82 : i32
      %convert_element_type3A_84 = arith.extui %lt3A_83 : i1 to i32
      %cond3A_85 = arith.constant 0 : i32
      %cond3A_86 = arith.cmpi ne, %convert_element_type3A_84, %cond3A_85 : i32
      scf.if %cond3A_86 {
        %ge3A = arith.constant 5 : i32
        %ge3A_178 = arith.cmpi sge, %sub3A_81, %ge3A : i32
        %convert_element_type3A_179 = arith.extui %ge3A_178 : i1 to i32
        %cond3A_180 = arith.constant 0 : i32
        %cond3A_181 = arith.cmpi ne, %convert_element_type3A_179, %cond3A_180 : i32
        scf.if %cond3A_181 {
          %dma_wait3A_188 = arith.constant 0 : i32
          %dma_wait3A_189 = arith.constant 0 : i32
          %dma_wait3A_190 = tpu.memref_slice %arg4[%dma_wait3A_188, %dma_wait3A_189] : memref<409600x64xf32, #tpu.memory_space<hbm>> -> memref<256x64xf32, #tpu.memory_space<hbm>>
          %dma_wait3A_191 = arith.constant 0 : i32
          %dma_wait3A_192 = arith.constant 0 : i32
          %dma_wait3A_193 = tpu.memref_slice %arg4[%dma_wait3A_191, %dma_wait3A_192] : memref<409600x64xf32, #tpu.memory_space<hbm>> -> memref<256x64xf32, #tpu.memory_space<hbm>>
          tpu.wait_dma2 semaphore(%arg20 : memref<!tpu.dma_semaphore, #tpu.memory_space<semaphore_mem>>) src(%arg10 : memref<256x64xf32, #tpu.memory_space<vmem>>) dst(%dma_wait3A_193 : memref<256x64xf32, #tpu.memory_space<hbm>>)
        } else {
        }
        %mul3A_182 = arith.constant 256 : i32
        %mul3A_183 = arith.muli %sub3A_81, %mul3A_182 : i32
        %dma_start3A_184 = tpu.memref_slice %arg5[%mul3A_183] : memref<12800xi32, #tpu.memory_space<vmem>> -> memref<256xi32, #tpu.memory_space<vmem>>
        %dma_start3A_185 = arith.constant 0 : i32
        %dma_start3A_186 = arith.constant 0 : i32
        %dma_start3A_187 = tpu.memref_slice %arg3[%dma_start3A_185, %dma_start3A_186] : memref<1000000x64xf32, #tpu.memory_space<hbm>> -> memref<1000000x64xf32, #tpu.memory_space<hbm>>
        tpu.enqueue_indirect_dma source(%dma_start3A_187 : memref<1000000x64xf32, #tpu.memory_space<hbm>>) target(%arg10 : memref<256x64xf32, #tpu.memory_space<vmem>>) offsets(%dma_start3A_184 : memref<256xi32, #tpu.memory_space<vmem>>) semaphore(%arg15 : memref<!tpu.dma_semaphore, #tpu.memory_space<semaphore_mem>>)
      } else {
      }
      %dma_wait3A_87 = arith.constant 0 : i32
      %dma_wait3A_88 = arith.constant 0 : i32
      %dma_wait3A_89 = tpu.memref_slice %arg3[%dma_wait3A_87, %dma_wait3A_88] : memref<1000000x64xf32, #tpu.memory_space<hbm>> -> memref<256x64xf32, #tpu.memory_space<hbm>>
      %dma_wait3A_90 = arith.constant 0 : i32
      %dma_wait3A_91 = arith.constant 0 : i32
      %dma_wait3A_92 = tpu.memref_slice %arg3[%dma_wait3A_90, %dma_wait3A_91] : memref<1000000x64xf32, #tpu.memory_space<hbm>> -> memref<256x64xf32, #tpu.memory_space<hbm>>
      tpu.wait_dma2 semaphore(%arg12 : memref<!tpu.dma_semaphore, #tpu.memory_space<semaphore_mem>>) src(%dma_wait3A_92 : memref<256x64xf32, #tpu.memory_space<hbm>>) dst(%arg7 : memref<256x64xf32, #tpu.memory_space<vmem>>)
      %mul3A_93 = arith.constant 256 : i32
      %mul3A_94 = arith.muli %add3A_77, %mul3A_93 : i32
      %add3A_95 = arith.addi %mul3A_2, %mul3A_94 : i32
      %dma_start3A_96 = arith.constant 0 : i32
      %dma_start3A_97 = tpu.memref_slice %arg4[%add3A_95, %dma_start3A_96] : memref<409600x64xf32, #tpu.memory_space<hbm>> -> memref<256x64xf32, #tpu.memory_space<hbm>>
      %dma_start3A_98 = arith.constant 0 : i32
      %dma_start3A_99 = tpu.memref_slice %arg4[%add3A_95, %dma_start3A_98] : memref<409600x64xf32, #tpu.memory_space<hbm>> -> memref<256x64xf32, #tpu.memory_space<hbm>>
      tpu.enqueue_dma source(%arg7 : memref<256x64xf32, #tpu.memory_space<vmem>>) target(%dma_start3A_99 : memref<256x64xf32, #tpu.memory_space<hbm>>) target_semaphore(%arg17 : memref<!tpu.dma_semaphore, #tpu.memory_space<semaphore_mem>>)
      %mul3A_100 = arith.constant 5 : i32
      %mul3A_101 = arith.muli %scan3A_51, %mul3A_100 : i32
      %add3A_102 = arith.constant 2 : i32
      %add3A_103 = arith.addi %mul3A_101, %add3A_102 : i32
      %add3A_104 = arith.constant 5 : i32
      %add3A_105 = arith.addi %add3A_103, %add3A_104 : i32
      %sub3A_106 = arith.constant 2 : i32
      %sub3A_107 = arith.subi %add3A_105, %sub3A_106 : i32
      %lt3A_108 = arith.constant 50 : i32
      %lt3A_109 = arith.cmpi slt, %sub3A_107, %lt3A_108 : i32
      %convert_element_type3A_110 = arith.extui %lt3A_109 : i1 to i32
      %cond3A_111 = arith.constant 0 : i32
      %cond3A_112 = arith.cmpi ne, %convert_element_type3A_110, %cond3A_111 : i32
      scf.if %cond3A_112 {
        %ge3A = arith.constant 5 : i32
        %ge3A_178 = arith.cmpi sge, %sub3A_107, %ge3A : i32
        %convert_element_type3A_179 = arith.extui %ge3A_178 : i1 to i32
        %cond3A_180 = arith.constant 0 : i32
        %cond3A_181 = arith.cmpi ne, %convert_element_type3A_179, %cond3A_180 : i32
        scf.if %cond3A_181 {
          %dma_wait3A_188 = arith.constant 0 : i32
          %dma_wait3A_189 = arith.constant 0 : i32
          %dma_wait3A_190 = tpu.memref_slice %arg4[%dma_wait3A_188, %dma_wait3A_189] : memref<409600x64xf32, #tpu.memory_space<hbm>> -> memref<256x64xf32, #tpu.memory_space<hbm>>
          %dma_wait3A_191 = arith.constant 0 : i32
          %dma_wait3A_192 = arith.constant 0 : i32
          %dma_wait3A_193 = tpu.memref_slice %arg4[%dma_wait3A_191, %dma_wait3A_192] : memref<409600x64xf32, #tpu.memory_space<hbm>> -> memref<256x64xf32, #tpu.memory_space<hbm>>
          tpu.wait_dma2 semaphore(%arg16 : memref<!tpu.dma_semaphore, #tpu.memory_space<semaphore_mem>>) src(%arg6 : memref<256x64xf32, #tpu.memory_space<vmem>>) dst(%dma_wait3A_193 : memref<256x64xf32, #tpu.memory_space<hbm>>)
        } else {
        }
        %mul3A_182 = arith.constant 256 : i32
        %mul3A_183 = arith.muli %sub3A_107, %mul3A_182 : i32
        %dma_start3A_184 = tpu.memref_slice %arg5[%mul3A_183] : memref<12800xi32, #tpu.memory_space<vmem>> -> memref<256xi32, #tpu.memory_space<vmem>>
        %dma_start3A_185 = arith.constant 0 : i32
        %dma_start3A_186 = arith.constant 0 : i32
        %dma_start3A_187 = tpu.memref_slice %arg3[%dma_start3A_185, %dma_start3A_186] : memref<1000000x64xf32, #tpu.memory_space<hbm>> -> memref<1000000x64xf32, #tpu.memory_space<hbm>>
        tpu.enqueue_indirect_dma source(%dma_start3A_187 : memref<1000000x64xf32, #tpu.memory_space<hbm>>) target(%arg6 : memref<256x64xf32, #tpu.memory_space<vmem>>) offsets(%dma_start3A_184 : memref<256xi32, #tpu.memory_space<vmem>>) semaphore(%arg11 : memref<!tpu.dma_semaphore, #tpu.memory_space<semaphore_mem>>)
      } else {
      }
      %dma_wait3A_113 = arith.constant 0 : i32
      %dma_wait3A_114 = arith.constant 0 : i32
      %dma_wait3A_115 = tpu.memref_slice %arg3[%dma_wait3A_113, %dma_wait3A_114] : memref<1000000x64xf32, #tpu.memory_space<hbm>> -> memref<256x64xf32, #tpu.memory_space<hbm>>
      %dma_wait3A_116 = arith.constant 0 : i32
      %dma_wait3A_117 = arith.constant 0 : i32
      %dma_wait3A_118 = tpu.memref_slice %arg3[%dma_wait3A_116, %dma_wait3A_117] : memref<1000000x64xf32, #tpu.memory_space<hbm>> -> memref<256x64xf32, #tpu.memory_space<hbm>>
      tpu.wait_dma2 semaphore(%arg13 : memref<!tpu.dma_semaphore, #tpu.memory_space<semaphore_mem>>) src(%dma_wait3A_118 : memref<256x64xf32, #tpu.memory_space<hbm>>) dst(%arg8 : memref<256x64xf32, #tpu.memory_space<vmem>>)
      %mul3A_119 = arith.constant 256 : i32
      %mul3A_120 = arith.muli %add3A_103, %mul3A_119 : i32
      %add3A_121 = arith.addi %mul3A_2, %mul3A_120 : i32
      %dma_start3A_122 = arith.constant 0 : i32
      %dma_start3A_123 = tpu.memref_slice %arg4[%add3A_121, %dma_start3A_122] : memref<409600x64xf32, #tpu.memory_space<hbm>> -> memref<256x64xf32, #tpu.memory_space<hbm>>
      %dma_start3A_124 = arith.constant 0 : i32
      %dma_start3A_125 = tpu.memref_slice %arg4[%add3A_121, %dma_start3A_124] : memref<409600x64xf32, #tpu.memory_space<hbm>> -> memref<256x64xf32, #tpu.memory_space<hbm>>
      tpu.enqueue_dma source(%arg8 : memref<256x64xf32, #tpu.memory_space<vmem>>) target(%dma_start3A_125 : memref<256x64xf32, #tpu.memory_space<hbm>>) target_semaphore(%arg18 : memref<!tpu.dma_semaphore, #tpu.memory_space<semaphore_mem>>)
      %mul3A_126 = arith.constant 5 : i32
      %mul3A_127 = arith.muli %scan3A_51, %mul3A_126 : i32
      %add3A_128 = arith.constant 3 : i32
      %add3A_129 = arith.addi %mul3A_127, %add3A_128 : i32
      %add3A_130 = arith.constant 5 : i32
      %add3A_131 = arith.addi %add3A_129, %add3A_130 : i32
      %sub3A_132 = arith.constant 2 : i32
      %sub3A_133 = arith.subi %add3A_131, %sub3A_132 : i32
      %lt3A_134 = arith.constant 50 : i32
      %lt3A_135 = arith.cmpi slt, %sub3A_133, %lt3A_134 : i32
      %convert_element_type3A_136 = arith.extui %lt3A_135 : i1 to i32
      %cond3A_137 = arith.constant 0 : i32
      %cond3A_138 = arith.cmpi ne, %convert_element_type3A_136, %cond3A_137 : i32
      scf.if %cond3A_138 {
        %ge3A = arith.constant 5 : i32
        %ge3A_178 = arith.cmpi sge, %sub3A_133, %ge3A : i32
        %convert_element_type3A_179 = arith.extui %ge3A_178 : i1 to i32
        %cond3A_180 = arith.constant 0 : i32
        %cond3A_181 = arith.cmpi ne, %convert_element_type3A_179, %cond3A_180 : i32
        scf.if %cond3A_181 {
          %dma_wait3A_188 = arith.constant 0 : i32
          %dma_wait3A_189 = arith.constant 0 : i32
          %dma_wait3A_190 = tpu.memref_slice %arg4[%dma_wait3A_188, %dma_wait3A_189] : memref<409600x64xf32, #tpu.memory_space<hbm>> -> memref<256x64xf32, #tpu.memory_space<hbm>>
          %dma_wait3A_191 = arith.constant 0 : i32
          %dma_wait3A_192 = arith.constant 0 : i32
          %dma_wait3A_193 = tpu.memref_slice %arg4[%dma_wait3A_191, %dma_wait3A_192] : memref<409600x64xf32, #tpu.memory_space<hbm>> -> memref<256x64xf32, #tpu.memory_space<hbm>>
          tpu.wait_dma2 semaphore(%arg17 : memref<!tpu.dma_semaphore, #tpu.memory_space<semaphore_mem>>) src(%arg7 : memref<256x64xf32, #tpu.memory_space<vmem>>) dst(%dma_wait3A_193 : memref<256x64xf32, #tpu.memory_space<hbm>>)
        } else {
        }
        %mul3A_182 = arith.constant 256 : i32
        %mul3A_183 = arith.muli %sub3A_133, %mul3A_182 : i32
        %dma_start3A_184 = tpu.memref_slice %arg5[%mul3A_183] : memref<12800xi32, #tpu.memory_space<vmem>> -> memref<256xi32, #tpu.memory_space<vmem>>
        %dma_start3A_185 = arith.constant 0 : i32
        %dma_start3A_186 = arith.constant 0 : i32
        %dma_start3A_187 = tpu.memref_slice %arg3[%dma_start3A_185, %dma_start3A_186] : memref<1000000x64xf32, #tpu.memory_space<hbm>> -> memref<1000000x64xf32, #tpu.memory_space<hbm>>
        tpu.enqueue_indirect_dma source(%dma_start3A_187 : memref<1000000x64xf32, #tpu.memory_space<hbm>>) target(%arg7 : memref<256x64xf32, #tpu.memory_space<vmem>>) offsets(%dma_start3A_184 : memref<256xi32, #tpu.memory_space<vmem>>) semaphore(%arg12 : memref<!tpu.dma_semaphore, #tpu.memory_space<semaphore_mem>>)
      } else {
      }
      %dma_wait3A_139 = arith.constant 0 : i32
      %dma_wait3A_140 = arith.constant 0 : i32
      %dma_wait3A_141 = tpu.memref_slice %arg3[%dma_wait3A_139, %dma_wait3A_140] : memref<1000000x64xf32, #tpu.memory_space<hbm>> -> memref<256x64xf32, #tpu.memory_space<hbm>>
      %dma_wait3A_142 = arith.constant 0 : i32
      %dma_wait3A_143 = arith.constant 0 : i32
      %dma_wait3A_144 = tpu.memref_slice %arg3[%dma_wait3A_142, %dma_wait3A_143] : memref<1000000x64xf32, #tpu.memory_space<hbm>> -> memref<256x64xf32, #tpu.memory_space<hbm>>
      tpu.wait_dma2 semaphore(%arg14 : memref<!tpu.dma_semaphore, #tpu.memory_space<semaphore_mem>>) src(%dma_wait3A_144 : memref<256x64xf32, #tpu.memory_space<hbm>>) dst(%arg9 : memref<256x64xf32, #tpu.memory_space<vmem>>)
      %mul3A_145 = arith.constant 256 : i32
      %mul3A_146 = arith.muli %add3A_129, %mul3A_145 : i32
      %add3A_147 = arith.addi %mul3A_2, %mul3A_146 : i32
      %dma_start3A_148 = arith.constant 0 : i32
      %dma_start3A_149 = tpu.memref_slice %arg4[%add3A_147, %dma_start3A_148] : memref<409600x64xf32, #tpu.memory_space<hbm>> -> memref<256x64xf32, #tpu.memory_space<hbm>>
      %dma_start3A_150 = arith.constant 0 : i32
      %dma_start3A_151 = tpu.memref_slice %arg4[%add3A_147, %dma_start3A_150] : memref<409600x64xf32, #tpu.memory_space<hbm>> -> memref<256x64xf32, #tpu.memory_space<hbm>>
      tpu.enqueue_dma source(%arg9 : memref<256x64xf32, #tpu.memory_space<vmem>>) target(%dma_start3A_151 : memref<256x64xf32, #tpu.memory_space<hbm>>) target_semaphore(%arg19 : memref<!tpu.dma_semaphore, #tpu.memory_space<semaphore_mem>>)
      %mul3A_152 = arith.constant 5 : i32
      %mul3A_153 = arith.muli %scan3A_51, %mul3A_152 : i32
      %add3A_154 = arith.constant 4 : i32
      %add3A_155 = arith.addi %mul3A_153, %add3A_154 : i32
      %add3A_156 = arith.constant 5 : i32
      %add3A_157 = arith.addi %add3A_155, %add3A_156 : i32
      %sub3A_158 = arith.constant 2 : i32
      %sub3A_159 = arith.subi %add3A_157, %sub3A_158 : i32
      %lt3A_160 = arith.constant 50 : i32
      %lt3A_161 = arith.cmpi slt, %sub3A_159, %lt3A_160 : i32
      %convert_element_type3A_162 = arith.extui %lt3A_161 : i1 to i32
      %cond3A_163 = arith.constant 0 : i32
      %cond3A_164 = arith.cmpi ne, %convert_element_type3A_162, %cond3A_163 : i32
      scf.if %cond3A_164 {
        %ge3A = arith.constant 5 : i32
        %ge3A_178 = arith.cmpi sge, %sub3A_159, %ge3A : i32
        %convert_element_type3A_179 = arith.extui %ge3A_178 : i1 to i32
        %cond3A_180 = arith.constant 0 : i32
        %cond3A_181 = arith.cmpi ne, %convert_element_type3A_179, %cond3A_180 : i32
        scf.if %cond3A_181 {
          %dma_wait3A_188 = arith.constant 0 : i32
          %dma_wait3A_189 = arith.constant 0 : i32
          %dma_wait3A_190 = tpu.memref_slice %arg4[%dma_wait3A_188, %dma_wait3A_189] : memref<409600x64xf32, #tpu.memory_space<hbm>> -> memref<256x64xf32, #tpu.memory_space<hbm>>
          %dma_wait3A_191 = arith.constant 0 : i32
          %dma_wait3A_192 = arith.constant 0 : i32
          %dma_wait3A_193 = tpu.memref_slice %arg4[%dma_wait3A_191, %dma_wait3A_192] : memref<409600x64xf32, #tpu.memory_space<hbm>> -> memref<256x64xf32, #tpu.memory_space<hbm>>
          tpu.wait_dma2 semaphore(%arg18 : memref<!tpu.dma_semaphore, #tpu.memory_space<semaphore_mem>>) src(%arg8 : memref<256x64xf32, #tpu.memory_space<vmem>>) dst(%dma_wait3A_193 : memref<256x64xf32, #tpu.memory_space<hbm>>)
        } else {
        }
        %mul3A_182 = arith.constant 256 : i32
        %mul3A_183 = arith.muli %sub3A_159, %mul3A_182 : i32
        %dma_start3A_184 = tpu.memref_slice %arg5[%mul3A_183] : memref<12800xi32, #tpu.memory_space<vmem>> -> memref<256xi32, #tpu.memory_space<vmem>>
        %dma_start3A_185 = arith.constant 0 : i32
        %dma_start3A_186 = arith.constant 0 : i32
        %dma_start3A_187 = tpu.memref_slice %arg3[%dma_start3A_185, %dma_start3A_186] : memref<1000000x64xf32, #tpu.memory_space<hbm>> -> memref<1000000x64xf32, #tpu.memory_space<hbm>>
        tpu.enqueue_indirect_dma source(%dma_start3A_187 : memref<1000000x64xf32, #tpu.memory_space<hbm>>) target(%arg8 : memref<256x64xf32, #tpu.memory_space<vmem>>) offsets(%dma_start3A_184 : memref<256xi32, #tpu.memory_space<vmem>>) semaphore(%arg13 : memref<!tpu.dma_semaphore, #tpu.memory_space<semaphore_mem>>)
      } else {
      }
      %dma_wait3A_165 = arith.constant 0 : i32
      %dma_wait3A_166 = arith.constant 0 : i32
      %dma_wait3A_167 = tpu.memref_slice %arg3[%dma_wait3A_165, %dma_wait3A_166] : memref<1000000x64xf32, #tpu.memory_space<hbm>> -> memref<256x64xf32, #tpu.memory_space<hbm>>
      %dma_wait3A_168 = arith.constant 0 : i32
      %dma_wait3A_169 = arith.constant 0 : i32
      %dma_wait3A_170 = tpu.memref_slice %arg3[%dma_wait3A_168, %dma_wait3A_169] : memref<1000000x64xf32, #tpu.memory_space<hbm>> -> memref<256x64xf32, #tpu.memory_space<hbm>>
      tpu.wait_dma2 semaphore(%arg15 : memref<!tpu.dma_semaphore, #tpu.memory_space<semaphore_mem>>) src(%dma_wait3A_170 : memref<256x64xf32, #tpu.memory_space<hbm>>) dst(%arg10 : memref<256x64xf32, #tpu.memory_space<vmem>>)
      %mul3A_171 = arith.constant 256 : i32
      %mul3A_172 = arith.muli %add3A_155, %mul3A_171 : i32
      %add3A_173 = arith.addi %mul3A_2, %mul3A_172 : i32
      %dma_start3A_174 = arith.constant 0 : i32
      %dma_start3A_175 = tpu.memref_slice %arg4[%add3A_173, %dma_start3A_174] : memref<409600x64xf32, #tpu.memory_space<hbm>> -> memref<256x64xf32, #tpu.memory_space<hbm>>
      %dma_start3A_176 = arith.constant 0 : i32
      %dma_start3A_177 = tpu.memref_slice %arg4[%add3A_173, %dma_start3A_176] : memref<409600x64xf32, #tpu.memory_space<hbm>> -> memref<256x64xf32, #tpu.memory_space<hbm>>
      tpu.enqueue_dma source(%arg10 : memref<256x64xf32, #tpu.memory_space<vmem>>) target(%dma_start3A_177 : memref<256x64xf32, #tpu.memory_space<hbm>>) target_semaphore(%arg20 : memref<!tpu.dma_semaphore, #tpu.memory_space<semaphore_mem>>)
    }
    %scan3A_21 = arith.constant 10 : i32
    %dma_wait3A = arith.constant 0 : i32
    %dma_wait3A_22 = arith.constant 0 : i32
    %dma_wait3A_23 = tpu.memref_slice %arg4[%dma_wait3A, %dma_wait3A_22] : memref<409600x64xf32, #tpu.memory_space<hbm>> -> memref<256x64xf32, #tpu.memory_space<hbm>>
    %dma_wait3A_24 = arith.constant 0 : i32
    %dma_wait3A_25 = arith.constant 0 : i32
    %dma_wait3A_26 = tpu.memref_slice %arg4[%dma_wait3A_24, %dma_wait3A_25] : memref<409600x64xf32, #tpu.memory_space<hbm>> -> memref<256x64xf32, #tpu.memory_space<hbm>>
    tpu.wait_dma2 semaphore(%arg16 : memref<!tpu.dma_semaphore, #tpu.memory_space<semaphore_mem>>) src(%arg6 : memref<256x64xf32, #tpu.memory_space<vmem>>) dst(%dma_wait3A_26 : memref<256x64xf32, #tpu.memory_space<hbm>>)
    %dma_wait3A_27 = arith.constant 0 : i32
    %dma_wait3A_28 = arith.constant 0 : i32
    %dma_wait3A_29 = tpu.memref_slice %arg4[%dma_wait3A_27, %dma_wait3A_28] : memref<409600x64xf32, #tpu.memory_space<hbm>> -> memref<256x64xf32, #tpu.memory_space<hbm>>
    %dma_wait3A_30 = arith.constant 0 : i32
    %dma_wait3A_31 = arith.constant 0 : i32
    %dma_wait3A_32 = tpu.memref_slice %arg4[%dma_wait3A_30, %dma_wait3A_31] : memref<409600x64xf32, #tpu.memory_space<hbm>> -> memref<256x64xf32, #tpu.memory_space<hbm>>
    tpu.wait_dma2 semaphore(%arg17 : memref<!tpu.dma_semaphore, #tpu.memory_space<semaphore_mem>>) src(%arg7 : memref<256x64xf32, #tpu.memory_space<vmem>>) dst(%dma_wait3A_32 : memref<256x64xf32, #tpu.memory_space<hbm>>)
    %dma_wait3A_33 = arith.constant 0 : i32
    %dma_wait3A_34 = arith.constant 0 : i32
    %dma_wait3A_35 = tpu.memref_slice %arg4[%dma_wait3A_33, %dma_wait3A_34] : memref<409600x64xf32, #tpu.memory_space<hbm>> -> memref<256x64xf32, #tpu.memory_space<hbm>>
    %dma_wait3A_36 = arith.constant 0 : i32
    %dma_wait3A_37 = arith.constant 0 : i32
    %dma_wait3A_38 = tpu.memref_slice %arg4[%dma_wait3A_36, %dma_wait3A_37] : memref<409600x64xf32, #tpu.memory_space<hbm>> -> memref<256x64xf32, #tpu.memory_space<hbm>>
    tpu.wait_dma2 semaphore(%arg18 : memref<!tpu.dma_semaphore, #tpu.memory_space<semaphore_mem>>) src(%arg8 : memref<256x64xf32, #tpu.memory_space<vmem>>) dst(%dma_wait3A_38 : memref<256x64xf32, #tpu.memory_space<hbm>>)
    %dma_wait3A_39 = arith.constant 0 : i32
    %dma_wait3A_40 = arith.constant 0 : i32
    %dma_wait3A_41 = tpu.memref_slice %arg4[%dma_wait3A_39, %dma_wait3A_40] : memref<409600x64xf32, #tpu.memory_space<hbm>> -> memref<256x64xf32, #tpu.memory_space<hbm>>
    %dma_wait3A_42 = arith.constant 0 : i32
    %dma_wait3A_43 = arith.constant 0 : i32
    %dma_wait3A_44 = tpu.memref_slice %arg4[%dma_wait3A_42, %dma_wait3A_43] : memref<409600x64xf32, #tpu.memory_space<hbm>> -> memref<256x64xf32, #tpu.memory_space<hbm>>
    tpu.wait_dma2 semaphore(%arg19 : memref<!tpu.dma_semaphore, #tpu.memory_space<semaphore_mem>>) src(%arg9 : memref<256x64xf32, #tpu.memory_space<vmem>>) dst(%dma_wait3A_44 : memref<256x64xf32, #tpu.memory_space<hbm>>)
    %dma_wait3A_45 = arith.constant 0 : i32
    %dma_wait3A_46 = arith.constant 0 : i32
    %dma_wait3A_47 = tpu.memref_slice %arg4[%dma_wait3A_45, %dma_wait3A_46] : memref<409600x64xf32, #tpu.memory_space<hbm>> -> memref<256x64xf32, #tpu.memory_space<hbm>>
    %dma_wait3A_48 = arith.constant 0 : i32
    %dma_wait3A_49 = arith.constant 0 : i32
    %dma_wait3A_50 = tpu.memref_slice %arg4[%dma_wait3A_48, %dma_wait3A_49] : memref<409600x64xf32, #tpu.memory_space<hbm>> -> memref<256x64xf32, #tpu.memory_space<hbm>>
    tpu.wait_dma2 semaphore(%arg20 : memref<!tpu.dma_semaphore, #tpu.memory_space<semaphore_mem>>) src(%arg10 : memref<256x64xf32, #tpu.memory_space<vmem>>) dst(%dma_wait3A_50 : memref<256x64xf32, #tpu.memory_space<hbm>>)
    return
  }
}

module attributes {stable_mosaic.version = 14 : i64} {
  func.func @_ln_tc_body(%arg0: i32, %arg1: memref<8192x1xi32, #tpu.memory_space<vmem>>, %arg2: memref<8192x64xf32, #tpu.memory_space<vmem>>, %arg3: memref<1x64xf32, #tpu.memory_space<vmem>>, %arg4: memref<1x64xf32, #tpu.memory_space<vmem>>, %arg5: memref<8192x64xf32, #tpu.memory_space<vmem>>) attributes {dimension_semantics = [#tpu.dimension_semantics<arbitrary>], iteration_bounds = array<i64: 50>, scalar_prefetch = 0 : i64, scratch_operands = 0 : i64, tpu.core_type = #tpu.core_type<tc>, window_params = [{transform_indices = @transform_0, window_bounds = array<i64: 8192, 1>}, {transform_indices = @transform_1, window_bounds = array<i64: 8192, 64>}, {pipeline_mode = #tpu.pipeline_mode<synchronous>, transform_indices = @transform_2, window_bounds = array<i64: 1, 64>}, {pipeline_mode = #tpu.pipeline_mode<synchronous>, transform_indices = @transform_3, window_bounds = array<i64: 1, 64>}, {transform_indices = @transform_4, window_bounds = array<i64: 8192, 64>}]} {
    %get3A = arith.constant 0 : index
    %get3A_0 = arith.constant 0 : index
    %get3A_1 = vector.load %arg2[%get3A, %get3A_0] : memref<8192x64xf32, #tpu.memory_space<vmem>>, vector<8192x64xf32>
    %reduce_sum3A = arith.constant dense<0.000000e+00> : vector<8192xf32>
    %reduce_sum3A_2 = vector.multi_reduction <add>, %get3A_1, %reduce_sum3A [1] : vector<8192x64xf32> to vector<8192xf32>
    %broadcast_in_dim3A = vector.shape_cast %reduce_sum3A_2 : vector<8192xf32> to vector<8192x1xf32>
    %div3A = arith.constant 6.400000e+01 : f32
    %div3A_3 = vector.broadcast %div3A : f32 to vector<8192x1xf32>
    %div3A_4 = arith.divf %broadcast_in_dim3A, %div3A_3 : vector<8192x1xf32>
    %sub3A = vector.broadcast %div3A_4 : vector<8192x1xf32> to vector<8192x64xf32>
    %sub3A_5 = arith.subf %get3A_1, %sub3A : vector<8192x64xf32>
    %mul3A = arith.mulf %sub3A_5, %sub3A_5 : vector<8192x64xf32>
    %reduce_sum3A_6 = arith.constant dense<0.000000e+00> : vector<8192xf32>
    %reduce_sum3A_7 = vector.multi_reduction <add>, %mul3A, %reduce_sum3A_6 [1] : vector<8192x64xf32> to vector<8192xf32>
    %broadcast_in_dim3A_8 = vector.shape_cast %reduce_sum3A_7 : vector<8192xf32> to vector<8192x1xf32>
    %div3A_9 = arith.constant 6.400000e+01 : f32
    %div3A_10 = vector.broadcast %div3A_9 : f32 to vector<8192x1xf32>
    %div3A_11 = arith.divf %broadcast_in_dim3A_8, %div3A_10 : vector<8192x1xf32>
    %add3A = arith.constant 9.99999974E-6 : f32
    %add3A_12 = vector.broadcast %add3A : f32 to vector<8192x1xf32>
    %add3A_13 = arith.addf %div3A_11, %add3A_12 : vector<8192x1xf32>
    %rsqrt3A = math.rsqrt %add3A_13 : vector<8192x1xf32>
    %get3A_14 = arith.constant 0 : index
    %get3A_15 = arith.constant 0 : index
    %get3A_16 = vector.load %arg1[%get3A_14, %get3A_15] : memref<8192x1xi32, #tpu.memory_space<vmem>>, vector<8192x1xi32>
    %ne3A = arith.constant 0 : i32
    %ne3A_17 = vector.broadcast %ne3A : i32 to vector<8192x1xi32>
    %ne3A_18 = arith.cmpi ne, %get3A_16, %ne3A_17 : vector<8192x1xi32>
    %convert_element_type3A = arith.extui %ne3A_18 : vector<8192x1xi1> to vector<8192x1xi32>
    %convert_element_type3A_19 = arith.sitofp %convert_element_type3A : vector<8192x1xi32> to vector<8192x1xf32>
    %mul3A_20 = arith.mulf %rsqrt3A, %convert_element_type3A_19 : vector<8192x1xf32>
    %mul3A_21 = vector.broadcast %mul3A_20 : vector<8192x1xf32> to vector<8192x64xf32>
    %mul3A_22 = arith.mulf %sub3A_5, %mul3A_21 : vector<8192x64xf32>
    %get3A_23 = arith.constant 0 : index
    %get3A_24 = arith.constant 0 : index
    %get3A_25 = vector.load %arg3[%get3A_23, %get3A_24] : memref<1x64xf32, #tpu.memory_space<vmem>>, vector<1x64xf32>
    %mul3A_26 = vector.broadcast %get3A_25 : vector<1x64xf32> to vector<8192x64xf32>
    %mul3A_27 = arith.mulf %mul3A_22, %mul3A_26 : vector<8192x64xf32>
    %get3A_28 = arith.constant 0 : index
    %get3A_29 = arith.constant 0 : index
    %get3A_30 = vector.load %arg4[%get3A_28, %get3A_29] : memref<1x64xf32, #tpu.memory_space<vmem>>, vector<1x64xf32>
    %add3A_31 = vector.broadcast %get3A_30 : vector<1x64xf32> to vector<8192x64xf32>
    %add3A_32 = arith.addf %mul3A_27, %add3A_31 : vector<8192x64xf32>
    %swap3A = arith.constant 0 : index
    %swap3A_33 = arith.constant 0 : index
    %swap3A_34 = vector.load %arg5[%swap3A, %swap3A_33] : memref<8192x64xf32, #tpu.memory_space<vmem>>, vector<8192x64xf32>
    tpu.vector_store %arg5[%swap3A, %swap3A_33], %add3A_32 {strides = array<i32>} : memref<8192x64xf32, #tpu.memory_space<vmem>>, vector<8192x64xf32>,
    return
  }
  func.func @transform_0(%arg0: i32) -> (i32, i32) {
    %c0_i32 = arith.constant 0 : i32
    %c0_i32_0 = arith.constant 0 : i32
    return %arg0, %c0_i32 : i32, i32
  }
  func.func @transform_1(%arg0: i32) -> (i32, i32) {
    %c0_i32 = arith.constant 0 : i32
    %c0_i32_0 = arith.constant 0 : i32
    return %arg0, %c0_i32 : i32, i32
  }
  func.func @transform_2(%arg0: i32) -> (i32, i32) {
    %c0_i32 = arith.constant 0 : i32
    %c0_i32_0 = arith.constant 0 : i32
    %c0_i32_1 = arith.constant 0 : i32
    return %c0_i32, %c0_i32_0 : i32, i32
  }
  func.func @transform_3(%arg0: i32) -> (i32, i32) {
    %c0_i32 = arith.constant 0 : i32
    %c0_i32_0 = arith.constant 0 : i32
    %c0_i32_1 = arith.constant 0 : i32
    return %c0_i32, %c0_i32_0 : i32, i32
  }
  func.func @transform_4(%arg0: i32) -> (i32, i32) {
    %c0_i32 = arith.constant 0 : i32
    %c0_i32_0 = arith.constant 0 : i32
    return %arg0, %c0_i32 : i32, i32
  }
}

</mosaic_0001>

<sc_bundles>
// kernel: kernel.6.cloned.1.call-start
scs
__scs_entry_jumppad:
0x0: {  	(pc) =	sbr.rel $0x88, $3  }
0x1: {  	(tag) =	ssettag $0x0;
	lr =	simm.s32 $0x1  }
0x2: {  	[smem:$0x3F9D] =	sst lr;
	_ =	strace $0xD0000000  }
0x3: {  	_ = 	snop  }
0x4: {  	_ = 	snop  }
0x5: {  	_ = 	snop  }
0x6: {  	_ = 	snop  }
0x7: {  	_ = 	snop  }
__scs_overlays_trampoline_lowered:
0x8: {  	[smem:$0x3FAC] =	sst s0  }
0x9: {  	[smem:$0x3FAD] =	sst s1  }
0xa: {  	[smem:$0x3FAE] =	sst s2  }
0xb: {  	[smem:$0x3FAF] =	sst s3  }
0xc: {  	[smem:$0x3FB0] =	sst s4  }
0xd: {  	[smem:$0x3FB1] =	sst s5  }
0xe: {  	[smem:$0x3FB2] =	sst s6  }
0xf: {  	[smem:$0x3FB3] =	sst s7  }
0x10: {  	[smem:$0x3FB4] =	sst s8  }
0x11: {  	[smem:$0x3FB5] =	sst s9;
	s0 =	simm.s32 @!p0 $0x0  }
0x12: {  	s1 =	sld [smem:$0x3F9B];
	s0 =	simm.s32 @p0 $0x1  }
0x13: {  	[smem:$0x3FB6] =	sst s0;
	s0 =	simm.s32 @!p1 $0x0  }
0x14: {  	s2 =	sld [smem:$0x3F9A];
	s0 =	simm.s32 @p1 $0x1  }
0x15: {  	[smem:$0x3FB7] =	sst s0;
	s0 =	simm.s32 @!p2 $0x0  }
0x16: {  	s3 =	sld [smem:$0x3FDB];
	s0 =	simm.s32 @p2 $0x1  }
0x17: {  	s4 =	simm.s32 $0x1BF5;
	[smem:$0x3FB9] =	sst s0  }
0x18: {  	s0 =	sld [smem:$0x3F9C];
	_ =	swait.ge [sflag:s4], $0x0  }
0x19: {  	s7 =	sld [smem:$0x3F9D]  }
0x1a: {  	s8 =	sadd.s32 $0xFFFFE003, lr  }
0x1b: {  	s9 =	sadd.s32 $0xFFFFFEF7, lr;
	s5 =	simm.s32 $0xFFFFFFFF;
	p2 =	slt.u32 s8, $0xFFFFF086  }
0x1c: {  	p1 =	slt.u32 s9, $0xF7A;
	s5 =	simm.s32 @!p2 $0x0  }
0x1d: {  	s5 =	simm.s32 @p1 $0x1;
	p0 =	seq.s32 s7, s2  }
0x1e: {  	s7 =	smul.u32 @!p0 $0xF7A, s2;
	p2 =	seq.s32 @!p0 s5, $0x0  }
0x1f: {  	s9 =	smul.u32 $0xF7A, s1;
	s8 =	simm.s32 @!p0 $0x1BF5;
	p2 =	por !p2, p0  }
0x20: {  	[sflag:s8] =	ssyncset.s32 @!p0 $0xFFFFF086;
	s6 =	sadd.s32 @!p0 s3, s7;
	s7 =	simm.s32 @!p0 $0x108  }
0x21: {  	s3 =	sadd.s32 s3, s9;
	s6 =	sadd.s32 @!p0 $0x88, s6;
	s7 =	simm.s32 @p2 $0x1082  }
0x22: {  	[simem:s7], [sflag:s8] =	dma.local @!p0 [hbm:s6], $0xF7A  }
0x23: {  	s9 =	sor.u32 $0xD0000000, s2;
	s6 =	simm.s32 $0x108;
	_ =	swait.ge @!p0 [sflag:s8], $0x0  }
0x24: {  	s3 =	sadd.s32 $0x88, s3;
	s6 =	simm.s32 @!p1 $0x1082;
	[sflag:s4] =	ssyncset.s32 $0xFFFFF086  }
0x25: {  	[simem:s6], [sflag:s4] =	dma.local [hbm:s3], $0xF7A  }
0x26: {  	[smem:$0x3F9D] =	sst s1;
	(tag) =	ssettag s2;
	_ =	strace s9  }
0x27: {  	s1 =	sld [smem:$0x3FAD]  }
0x28: {  	s2 =	sld [smem:$0x3FAE]  }
0x29: {  	s4 =	sld [smem:$0x3FB0]  }
0x2a: {  	p0 =	seq.s32 s5, $0x0;
	s5 =	sld [smem:$0x3FB1]  }
0x2b: {  	s6 =	sld [smem:$0x3FB2]  }
0x2c: {  	s7 =	sld [smem:$0x3FB3]  }
0x2d: {  	s3 =	simm.s32 $0x108;
	s8 =	sld [smem:$0x3FB4]  }
0x2e: {  	s3 =	simm.s32 @!p0 $0x1082;
	s9 =	sld [smem:$0x3FB5]  }
0x2f: {  	lr =	sadd.s32 s0, s3;
	s0 =	sld [smem:$0x3FAC]  }
0x30: {  	s3 =	sld [smem:$0x3FAF]  }
0x31: {  	[smem:$0x3FB8] =	sst s10  }
0x32: {  	s10 =	sld [smem:$0x3FB6];
	_ =	sdelay $0x3  }
0x33: {  	p0 =	seq.s32 s10, $0x1;
	s10 =	sld [smem:$0x3FB8];
	_ =	sdelay $0x3  }
0x34: {  	[smem:$0x3FB8] =	sst s10  }
0x35: {  	s10 =	sld [smem:$0x3FB7];
	_ =	sdelay $0x3  }
0x36: {  	p1 =	seq.s32 s10, $0x1;
	s10 =	sld [smem:$0x3FB8];
	_ =	sdelay $0x3  }
0x37: {  	[smem:$0x3FB8] =	sst s10  }
0x38: {  	s10 =	sld [smem:$0x3FB9]  }
0x39: {  	_ = 	snop;
	(pc) =	sbr.ind lr, $3  }
0x3a: {  	_ = 	snop  }
0x3b: {  	_ = 	snop  }
0x3c: {  	p2 =	seq.s32 s10, $0x1;
	s10 =	sld [smem:$0x3FB8]  }
0x3d: {  	_ =	shalt  }
0x3e: {  	_ =	shalt  }
0x3f: {  	_ =	shalt  }
0x40: {  	_ =	shalt  }
0x41: {  	_ =	shalt  }
0x42: {  	_ =	shalt  }
0x43: {  	_ =	shalt  }
0x44: {  	_ =	shalt  }
0x45: {  	_ =	shalt  }
0x46: {  	_ =	shalt  }
0x47: {  	_ =	shalt  }
0x48: {  	_ =	shalt  }
0x49: {  	_ =	shalt  }
0x4a: {  	_ =	shalt  }
0x4b: {  	_ =	shalt  }
0x4c: {  	_ =	shalt  }
0x4d: {  	_ =	shalt  }
0x4e: {  	_ =	shalt  }
0x4f: {  	_ =	shalt  }
0x50: {  	_ =	shalt  }
0x51: {  	_ =	shalt  }
0x52: {  	_ =	shalt  }
0x53: {  	_ =	shalt  }
0x54: {  	_ =	shalt  }
0x55: {  	_ =	shalt  }
0x56: {  	_ =	shalt  }
0x57: {  	_ =	shalt  }
0x58: {  	_ =	shalt  }
0x59: {  	_ =	shalt  }
0x5a: {  	_ =	shalt  }
0x5b: {  	_ =	shalt  }
0x5c: {  	_ =	shalt  }
0x5d: {  	_ =	shalt  }
0x5e: {  	_ =	shalt  }
0x5f: {  	_ =	shalt  }
0x60: {  	_ =	shalt  }
0x61: {  	_ =	shalt  }
0x62: {  	_ =	shalt  }
0x63: {  	_ =	shalt  }
0x64: {  	_ =	shalt  }
0x65: {  	_ =	shalt  }
0x66: {  	_ =	shalt  }
0x67: {  	_ =	shalt  }
0x68: {  	_ =	shalt  }
0x69: {  	_ =	shalt  }
0x6a: {  	_ =	shalt  }
0x6b: {  	_ =	shalt  }
0x6c: {  	_ =	shalt  }
0x6d: {  	_ =	shalt  }
0x6e: {  	_ =	shalt  }
0x6f: {  	_ =	shalt  }
0x70: {  	_ =	shalt  }
0x71: {  	_ =	shalt  }
0x72: {  	_ =	shalt  }
0x73: {  	_ =	shalt  }
0x74: {  	_ =	shalt  }
0x75: {  	_ =	shalt  }
0x76: {  	_ =	shalt  }
0x77: {  	_ =	shalt  }
0x78: {  	_ =	shalt  }
0x79: {  	_ =	shalt  }
0x7a: {  	_ =	shalt  }
0x7b: {  	_ =	shalt  }
0x7c: {  	_ =	shalt  }
0x7d: {  	_ =	shalt  }
0x7e: {  	_ =	shalt  }
0x7f: {  	_ =	shalt  }
0x80: {  	_ =	shalt  }
0x81: {  	_ =	shalt  }
0x82: {  	_ =	shalt  }
0x83: {  	_ =	shalt  }
0x84: {  	_ =	shalt  }
0x85: {  	_ =	shalt  }
0x86: {  	_ =	shalt  }
0x87: {  	_ =	shalt  }
.Lfunc_end0:
.L_simem_size_0:
called_computation.1_lowered:
.L_overlay_start_0:
0x88: {  	s2 =	sld [smem:$0x3FD9]  }
0x89: {  	s3 =	sld [smem:$0x3FFE];
	_ =	sdelay $0x1  }
0x8a: {  	s1 =	srdreg.scid  }
0x8b: {  	s0 =	sand.u32 $0x1, s1  }
0x8c: {  	s16 =	sshll.u32 s0, $0xA;
	s2 =	sadd.s32 s3, s2  }
0x8d: {  	s2 =	sadd.s32 s2, s16  }
0x8e: {  	[smem:$0x3FC4] =	sst s2  }
0x8f: {  	_ = 	snop  }
0x90: {  	(tm) =	ssettm $0x1  }
0x91: {  	s17 =	sld [smem:$0x3FFB];
	_ =	sdelay $0x3  }
0x92: {  	_ =	strace s17  }
0x93: {  	s2 =	sld [smem:$0x3FFC];
	_ =	sdelay $0x3  }
0x94: {  	_ =	strace s2  }
0x95: {  	s2 =	sld [smem:$0x3FFD];
	_ =	sdelay $0x3  }
0x96: {  	_ =	strace s2  }
0x97: {  	_ =	strace $0x8FFFFFFF  }
0x98: {  	s18 =	sld [smem:$0x3FDB];
	_ =	sdelay $0x1  }
0x99: {  	s19 =	simm.s32 $_scs_section_size  }
0x9a: {  	s4 =	simm.s32 $_size__tile_overlayer_lowered;
	s5 =	simm.s32 $_tile_overlayer_lowered  }
0x9b: {  	s22 =	simm.s32 $0x1BFF;
	s21 =	sshll.u32 s5, $0x1;
	s2 =	sadd.s32 s19, s18  }
0x9c: {  	s6 =	simm.s32 $0x0;
	s20 =	sshll.u32 s4, $0x1;
	s4 =	sadd.s32 s21, s2  }
0x9d: {  	[timem:s6], [sflag:s22] =	dma.local [hbm:s4], s20  }
0x9e: {  	_ =	swait.ge [sflag:s22], s20  }
0x9f: {  	s3 =	ssub.s32 $0x0, s20;
	[sflag:s22] =	ssyncset.done $0x0  }
0xa0: {  	[sflag:s22] =	ssyncadd.s32 s3;
	_ =	sdelay $0x1  }
0xa1: {  	s23 =	simm.s32 $0x1B8B  }
0xa2: {  	_ =	swait.ge [sflag:s23], $0x1  }
0xa3: {  	[sflag:s23] =	ssyncset.done $0x0  }
0xa4: {  	s25 =	simm.s32 $0x1B8E;
	s24 =	sld [smem:$0x3FFE];
	[sflag:s23] =	ssyncadd.s32 $0xFFFFFFFF  }
0xa5: {  	s26 =	simm.s32 $execute0_lowered;
	[smem:$0x3FD2] =	sst s25  }
0xa6: {  	s4 =	sshll.u32 s26, $0x1;
	_ =	strace $0x80000046;
	[dreg:$0x1] =	wrdreg $0xFFFFFFFF  }
0xa7: {  	s28 =	simm.s32 $_size_execute0_lowered;
	s2 =	sadd.s32 s2, s4;
	[dreg:$0x0] =	wrdreg $0x0  }
0xa8: {  	s4 =	sshll.u32 s28, $0x1;
	[dreg:$0x2] =	wrdreg s2  }
0xa9: {  	[dreg:$0x3] =	wrdreg s4  }
0xaa: {  	[dreg:$0x4] =	wrdreg $0xC0  }
0xab: {  	_ =	task [dreg:s6], $0x5FFFF  }
0xac: {  	[dreg:$0x1] =	wrdreg $0xFFFFFFFF  }
0xad: {  	[dreg:$0x0] =	wrdreg $0x60  }
0xae: {  	[dreg:$0x2] =	wrdreg s24  }
0xaf: {  	[dreg:$0x3] =	wrdreg $0x9  }
0xb0: {  	_ =	task.clear_ibuf [dreg:s6], $0x4FFFF;
	_ =	strace $0x90000046  }
0xb1: {  	s29 =	simm.s32 $0x9;
	_ =	strace $0x80000048  }
0xb2: {  	_ =	swait.ge [sflag:s29], $0x1  }
0xb3: {  	[sflag:s29] =	ssyncadd.s32 $0xFFFFFFFF  }
0xb4: {  	_ =	strace $0x90000048  }
0xb5: {  	_ =	sfence  }
0xb6: {  	s30 =	sld [smem:$0x0];
	_ =	sdelay $0x2  }
0xb7: {  	s31 =	sshll.u32 s1, $0xD;
	s1 =	sshrl.u32 s1, $0x2  }
0xb8: {  	s3 =	sand.u32 $0x4000, s31;
	s1 =	sadd.s32 s1, s30  }
0xb9: {  	s0 =	sor.u32 s3, s0;
	s1 =	sshll.u32 s1, $0x11  }
0xba: {  	s0 =	sor.u32 s1, s0  }
0xbb: {  	s0 =	sadd.s32 $0x8F2B, s0  }
0xbc: {  	[sflag:s0] =	ssyncadd.remote.s32 $0x1  }
0xbd: {  	_ =	sfence.sel $0xFFFF  }
0xbe: {  	[dreg:$0x0] =	wrdreg $0xFFFFFFFF;
	(pc) =	sbr.abs _section_cstart, $3  }
0xbf: {  	[dreg:$0x1] =	wrdreg $0xFFFFFFFF  }
0xc0: {  	_ =	task.clear_ibuf [dreg:s6], $0x2FFFF;
	_ =	strace $0x9FFFFFFF  }
0xc1: {  	(tm) =	ssettm $0x7FFFFFFF  }
tec
execute0_lowered:
.L_overlay_start_1:
0x0: {  	(tag) =	ssettag $0x1  }
0x1: {  	s0 =	srdreg.scid  }
0x2: {  	s9 =	stileid.u32;
	s4 =	rddreg [dreg:$0x0];
	s2 =	simm.s32 $0x0  }
0x3: {  	s12 =	simm.s32 $0x100;
	s13 =	simm.s32 $0x3200;
	s14 =	simm.s32 $0x7200  }
0x4: {  	s16 =	simm.s32 $0xB200;
	s17 =	simm.s32 $0xF200;
	s5 =	smul.u32 $0x6400, s9  }
0x5: {  	s18 =	simm.s32 $0x1;
	s19 =	simm.s32 $0x13200;
	s22 =	smul.u32 $0x190000, s9  }
0x6: {  	s0 =	sand.u32 $0x1, s0;
	s1 =	sshll.u32 s9, $0x1;
	s9 =	smul.u32 $0x32000, s9  }
0x7: {  	s20 =	simm.s32 $0x2;
	s30 =	simm.s32 $0x0;
	s6 =	smul.u32 $0x3200, s0  }
0x8: {  	[smem:$0x7FF] =	sst s2;
	s3 =	sadd.s32 $0xF44000, s4;
	s24 =	smul.u32 $0xC8000, s0  }
0x9: {  	s1 =	sor.u32 s0, s1;
	s7 =	ssub.s32 $0x2, s0;
	s0 =	smul.u32 $0x19000, s0  }
0xa: {  	_ =	strace $0x80000047;
	s1 =	smul.u32 $0x3200, s1;
	s8 =	sshrl.u32 s7, $0x1  }
0xb: {  	s5 =	sadd.s32 s6, s5;
	s21 =	ssub.s32 s7, s8;
	s26 =	sadd.s32 s24, s22  }
0xc: {  	s22 =	simm.s32 $0x4;
	s1 =	sshrl.u32 s1, $0x3;
	s5 =	sshll.u32 s5, $0x3  }
0xd: {  	s6 =	smax.u32 s21, $0x1;
	s29 =	sadd.s32 $0x10000, s26;
	s21 =	simm.s32 $0x3  }
0xe: {  	s1 =	sadd.s32 s1, s4;
	s4 =	sadd.s32 $0xE400, s4;
	[dreg:$0x3] =	wrdreg s6  }
0xf: {  	s31 =	sshrl.u32 s29, $0x3;
	s1 =	sadd.s32 $0x1C00, s1;
	s23 =	sadd.s32 s5, s4  }
0x10: {  	s28 =	sadd.s32 s9, s4;
	[dreg:$0x2] =	wrdreg s1;
	s1 =	sadd.s32 $0x800, s23  }
0x11: {  	s24 =	sadd.s32 s31, s4;
	[dreg:$0x5] =	wrdreg s1;
	s1 =	sadd.s32 $0xC000, s26  }
0x12: {  	s25 =	sadd.s32 $0x1000, s23;
	s8 =	sadd.s32 s0, s28;
	s1 =	sshrl.u32 s1, $0x3  }
0x13: {  	s23 =	simm.s32 $0x5;
	[dreg:$0x4] =	wrdreg s25;
	s10 =	sadd.s32 s1, s4  }
.LBB2_1:
0x14: {  	s0 =	rddreg [dreg:$0x2];
	s26 =	simm.s32 $0xB  }
0x15: {  	[tilespmem:s2], [sflag:$0xB] =	stream.linear.gather [hbm4b:s0+s2], $0x3200, $0x38;
	[tilespmem:$0x17200] =	vst v63  }
0x16: {  	_ =	swait.ge [sflag:s26], $0x3200  }
0x17: {  	[sflag:s26] =	ssyncset.done $0x0  }
0x18: {  	[sflag:s26] =	ssyncadd.s32 $0xFFFFCE00  }
0x19: {  	[tilespmem:s13], [sflag:$0x1] =	stream.indirect.gather [hbm4b:s3+s12], $0x40, s2, s12, $0xb8;
	[tilespmem:$0x17200] =	vst v63  }
0x1a: {  	p0 =	por $0x1, $0x1  }
0x1b: {  	[tilespmem:s14], [sflag:$0x2] =	stream.indirect.gather [hbm4b:s3+s12], $0x40, s12, s12, $0xb8;
	[tilespmem:$0x17200] =	vst v63  }
0x1c: {  	s28 =	simm.s32 $0x200;
	s0 =	simm.s32 @!p0 $0x9  }
0x1d: {  	[tilespmem:s16], [sflag:$0x3] =	stream.indirect.gather [hbm4b:s3+s12], $0x40, s28, s12, $0xb8;
	[tilespmem:$0x17200] =	vst v63  }
0x1e: {  	_ =	swait.ge @!p0 [sflag:s0], $0x4000  }
0x1f: {  	[sflag:s0] =	ssyncset.done @!p0 $0x0  }
0x20: {  	s1 =	simm.s32 $0x300;
	[sflag:s0] =	ssyncadd.s32 @!p0 $0xFFFFC000  }
0x21: {  	[tilespmem:s17], [sflag:$0x4] =	stream.indirect.gather [hbm4b:s3+s12], $0x40, s1, s12, $0xb8;
	[tilespmem:$0x17200] =	vst v63  }
0x22: {  	_ =	swait.ge [sflag:s18], $0x4000  }
0x23: {  	[sflag:s18] =	ssyncset.done $0x0  }
0x24: {  	s0 =	simm.s32 @!p0 $0xA;
	[sflag:s18] =	ssyncadd.s32 $0xFFFFC000  }
0x25: {  	[hbm4b:s8+s2] =	stream.linear.scatter [tilespmem:s13], [sflag:$0x6], $0x4000, $0x38;
	[tilespmem:$0x17200] =	vst v63  }
0x26: {  	_ =	swait.ge @!p0 [sflag:s0], $0x4000  }
0x27: {  	[sflag:s0] =	ssyncset.done @!p0 $0x0  }
0x28: {  	s29 =	simm.s32 $0x400;
	[sflag:s0] =	ssyncadd.s32 @!p0 $0xFFFFC000  }
0x29: {  	[tilespmem:s19], [sflag:$0x5] =	stream.indirect.gather [hbm4b:s3+s12], $0x40, s29, s12, $0xb8;
	[tilespmem:$0x17200] =	vst v63  }
0x2a: {  	_ =	swait.ge [sflag:s20], $0x4000  }
0x2b: {  	p0 =	por $0x0, $0x0;
	[sflag:s20] =	ssyncset.done $0x0  }
0x2c: {  	s0 =	simm.s32 @!p0 $0x6;
	s7 =	rddreg [dreg:$0x5];
	[sflag:s20] =	ssyncadd.s32 $0xFFFFC000  }
0x2d: {  	[hbm4b:s7+s2] =	stream.linear.scatter [tilespmem:s14], [sflag:$0x7], $0x4000, $0x38;
	[tilespmem:$0x17200] =	vst v63  }
0x2e: {  	_ =	swait.ge @!p0 [sflag:s0], $0x4000  }
0x2f: {  	s1 =	simm.s32 @!p0 $0x500;
	[sflag:s0] =	ssyncset.done @!p0 $0x0  }
0x30: {  	s5 =	simm.s32 @!p0 $0x100;
	s4 =	simm.s32 @!p0 $0x3200;
	[sflag:s0] =	ssyncadd.s32 @!p0 $0xFFFFC000  }
0x31: {  	[tilespmem:s4], [sflag:$0x1] =	stream.indirect.gather @!p0 [hbm4b:s3+s5], $0x40, s1, s5, $0xb8;
	[tilespmem:$0x17200] =	vst v63  }
0x32: {  	_ =	swait.ge [sflag:s21], $0x4000  }
0x33: {  	[sflag:s21] =	ssyncset.done $0x0  }
0x34: {  	s0 =	simm.s32 @!p0 $0x7;
	s6 =	rddreg [dreg:$0x4];
	[sflag:s21] =	ssyncadd.s32 $0xFFFFC000  }
0x35: {  	[hbm4b:s6+s2] =	stream.linear.scatter [tilespmem:s16], [sflag:$0x8], $0x4000, $0x38;
	[tilespmem:$0x17200] =	vst v63  }
0x36: {  	_ =	swait.ge @!p0 [sflag:s0], $0x4000  }
0x37: {  	[sflag:s0] =	ssyncset.done @!p0 $0x0  }
0x38: {  	s1 =	simm.s32 @!p0 $0x600;
	s4 =	simm.s32 @!p0 $0x7200;
	[sflag:s0] =	ssyncadd.s32 @!p0 $0xFFFFC000  }
0x39: {  	[tilespmem:s4], [sflag:$0x2] =	stream.indirect.gather @!p0 [hbm4b:s3+s5], $0x40, s1, s5, $0xb8;
	[tilespmem:$0x17200] =	vst v63  }
0x3a: {  	_ =	swait.ge [sflag:s22], $0x4000  }
0x3b: {  	[sflag:s22] =	ssyncset.done $0x0  }
0x3c: {  	s0 =	simm.s32 @!p0 $0x8;
	[sflag:s22] =	ssyncadd.s32 $0xFFFFC000  }
0x3d: {  	[hbm4b:s10+s2] =	stream.linear.scatter [tilespmem:s17], [sflag:$0x9], $0x4000, $0x38;
	[tilespmem:$0x17200] =	vst v63  }
0x3e: {  	s11 =	simm.s32 $0x2800;
	s31 =	sadd.s32 $0x2800, s24;
	_ =	swait.ge @!p0 [sflag:s0], $0x4000  }
0x3f: {  	p1 =	por $0x0, $0x0;
	s9 =	simm.s32 @!p0 $0x700;
	[sflag:s0] =	ssyncset.done @!p0 $0x0  }
0x40: {  	s15 =	simm.s32 @!p0 $0xB200;
	s4 =	simm.s32 $0x1400;
	[sflag:s0] =	ssyncadd.s32 @!p0 $0xFFFFC000  }
0x41: {  	[tilespmem:s15], [sflag:$0x3] =	stream.indirect.gather @!p0 [hbm4b:s3+s5], $0x40, s9, s5, $0xb8;
	[tilespmem:$0x17200] =	vst v63  }
0x42: {  	s1 =	sadd.s32 $0x2800, s10;
	s0 =	sadd.s32 $0x2800, s6;
	s15 =	sadd.s32 $0x2800, s7  }
0x43: {  	s5 =	sadd.s32 $0x2800, s8;
	s9 =	smov.u32 s24;
	_ =	swait.ge [sflag:s23], $0x4000  }
.LBB2_2:
0x44: {  	s25 =	simm.s32 @!p1 $0x9  }
0x45: {  	[sflag:s23] =	ssyncset.done $0x0;
	s26 =	smov.u32 s11;
	s11 =	sadd.s32 $0x1400, s11  }
0x46: {  	p0 =	sne.s32 s11, $0xC800;
	[sflag:s23] =	ssyncadd.s32 $0xFFFFC000  }
0x47: {  	[hbm4b:s9+s2] =	stream.linear.scatter [tilespmem:s19], [sflag:$0xA], $0x4000, $0x38;
	[tilespmem:$0x17200] =	vst v63  }
0x48: {  	s28 =	sshra.s32 s4, $0x2;
	s9 =	smov.u32 s31;
	_ =	swait.ge @!p1 [sflag:s25], $0x4000  }
0x49: {  	s29 =	sadd.s32 $0x300, s28;
	[sflag:s25] =	ssyncset.done @!p1 $0x0  }
0x4a: {  	[sflag:s25] =	ssyncadd.s32 @!p1 $0xFFFFC000  }
0x4b: {  	[tilespmem:s17], [sflag:$0x4] =	stream.indirect.gather [hbm4b:s3+s12], $0x40, s29, s12, $0xb8;
	[tilespmem:$0x17200] =	vst v63  }
0x4c: {  	_ =	swait.ge [sflag:s18], $0x4000  }
0x4d: {  	s25 =	simm.s32 @!p1 $0xA;
	[sflag:s18] =	ssyncset.done $0x0  }
0x4e: {  	[sflag:s18] =	ssyncadd.s32 $0xFFFFC000  }
0x4f: {  	[hbm4b:s5+s2] =	stream.linear.scatter [tilespmem:s13], [sflag:$0x6], $0x4000, $0x38;
	[tilespmem:$0x17200] =	vst v63  }
0x50: {  	_ =	swait.ge @!p1 [sflag:s25], $0x4000  }
0x51: {  	s28 =	sadd.s32 $0x400, s28;
	[sflag:s25] =	ssyncset.done @!p1 $0x0  }
0x52: {  	[sflag:s25] =	ssyncadd.s32 @!p1 $0xFFFFC000  }
0x53: {  	[tilespmem:s19], [sflag:$0x5] =	stream.indirect.gather [hbm4b:s3+s12], $0x40, s28, s12, $0xb8;
	[tilespmem:$0x17200] =	vst v63  }
0x54: {  	_ =	swait.ge [sflag:s20], $0x4000  }
0x55: {  	p1 =	seq.s32 s4, $0xB400;
	[sflag:s20] =	ssyncset.done $0x0  }
0x56: {  	s25 =	simm.s32 @!p1 $0x6;
	s4 =	sshra.s32 @!p1 s4, $0x2;
	[sflag:s20] =	ssyncadd.s32 $0xFFFFC000  }
0x57: {  	[hbm4b:s15+s2] =	stream.linear.scatter [tilespmem:s14], [sflag:$0x7], $0x4000, $0x38;
	[tilespmem:$0x17200] =	vst v63  }
0x58: {  	s28 =	sadd.s32 @!p1 $0x500, s4;
	s29 =	sadd.s32 @!p1 $0x600, s4;
	_ =	swait.ge @!p1 [sflag:s25], $0x4000  }
0x59: {  	s6 =	simm.s32 @!p1 $0x100;
	s7 =	simm.s32 @!p1 $0x3200;
	[sflag:s25] =	ssyncset.done @!p1 $0x0  }
0x5a: {  	[sflag:s25] =	ssyncadd.s32 @!p1 $0xFFFFC000;
	s25 =	sadd.s32 @!p1 $0x700, s4;
	s4 =	smov.u32 s26  }
0x5b: {  	[tilespmem:s7], [sflag:$0x1] =	stream.indirect.gather @!p1 [hbm4b:s3+s6], $0x40, s28, s6, $0xb8;
	[tilespmem:$0x17200] =	vst v63  }
0x5c: {  	_ =	swait.ge [sflag:s21], $0x4000  }
0x5d: {  	[sflag:s21] =	ssyncset.done $0x0  }
0x5e: {  	s7 =	simm.s32 @!p1 $0x7;
	[sflag:s21] =	ssyncadd.s32 $0xFFFFC000  }
0x5f: {  	[hbm4b:s0+s2] =	stream.linear.scatter [tilespmem:s16], [sflag:$0x8], $0x4000, $0x38;
	[tilespmem:$0x17200] =	vst v63  }
0x60: {  	_ =	swait.ge @!p1 [sflag:s7], $0x4000  }
0x61: {  	s26 =	simm.s32 @!p1 $0x7200;
	[sflag:s7] =	ssyncset.done @!p1 $0x0  }
0x62: {  	[sflag:s7] =	ssyncadd.s32 @!p1 $0xFFFFC000  }
0x63: {  	[tilespmem:s26], [sflag:$0x2] =	stream.indirect.gather @!p1 [hbm4b:s3+s6], $0x40, s29, s6, $0xb8;
	[tilespmem:$0x17200] =	vst v63  }
0x64: {  	_ =	swait.ge [sflag:s22], $0x4000  }
0x65: {  	[sflag:s22] =	ssyncset.done $0x0  }
0x66: {  	s7 =	simm.s32 @!p1 $0x8;
	[sflag:s22] =	ssyncadd.s32 $0xFFFFC000  }
0x67: {  	[hbm4b:s1+s2] =	stream.linear.scatter [tilespmem:s17], [sflag:$0x9], $0x4000, $0x38;
	[tilespmem:$0x17200] =	vst v63  }
.Ltmp0:
0x68: {  	s1 =	sadd.s32 $0x2800, s1;
	_ =	swait.ge @!p1 [sflag:s7], $0x4000;
	(pc) =	sbr.rel @p0 .LBB2_2-.Ltmp0, $4  }
0x69: {  	s31 =	sadd.s32 $0x2800, s31;
	s26 =	simm.s32 @!p1 $0xB200;
	[sflag:s7] =	ssyncset.done @!p1 $0x0  }
0x6a: {  	s5 =	sadd.s32 $0x2800, s5;
	s15 =	sadd.s32 $0x2800, s15;
	[sflag:s7] =	ssyncadd.s32 @!p1 $0xFFFFC000  }
0x6b: {  	[tilespmem:s26], [sflag:$0x3] =	stream.indirect.gather @!p1 [hbm4b:s3+s6], $0x40, s25, s6, $0xb8;
	[tilespmem:$0x17200] =	vst v63  }
0x6c: {  	s0 =	sadd.s32 $0x2800, s0;
	p1 =	seq.s32 s4, $0x0;
	_ =	swait.ge [sflag:s23], $0x4000  }
0x6d: {  	[sflag:s23] =	ssyncset.done $0x0  }
0x6e: {  	s6 =	simm.s32 @!p1 $0x9;
	[sflag:s23] =	ssyncadd.s32 $0xFFFFC000  }
0x6f: {  	[hbm4b:s9+s2] =	stream.linear.scatter [tilespmem:s19], [sflag:$0xA], $0x4000, $0x38;
	[tilespmem:$0x17200] =	vst v63  }
0x70: {  	_ =	swait.ge @!p1 [sflag:s6], $0x4000  }
0x71: {  	s7 =	sshra.s32 s4, $0x2;
	[sflag:s6] =	ssyncset.done @!p1 $0x0  }
0x72: {  	s9 =	sadd.s32 $0x300, s7;
	[sflag:s6] =	ssyncadd.s32 @!p1 $0xFFFFC000  }
0x73: {  	[tilespmem:s17], [sflag:$0x4] =	stream.indirect.gather [hbm4b:s3+s12], $0x40, s9, s12, $0xb8;
	[tilespmem:$0x17200] =	vst v63  }
0x74: {  	_ =	swait.ge [sflag:s18], $0x4000  }
0x75: {  	[sflag:s18] =	ssyncset.done $0x0  }
0x76: {  	[sflag:s18] =	ssyncadd.s32 $0xFFFFC000  }
0x77: {  	[hbm4b:s5+s2] =	stream.linear.scatter [tilespmem:s13], [sflag:$0x6], $0x4000, $0x38;
	[tilespmem:$0x17200] =	vst v63  }
0x78: {  	s5 =	simm.s32 @!p1 $0xA  }
0x79: {  	_ =	swait.ge @!p1 [sflag:s5], $0x4000  }
0x7a: {  	[sflag:s5] =	ssyncset.done @!p1 $0x0  }
0x7b: {  	s11 =	sadd.s32 $0x400, s7;
	[sflag:s5] =	ssyncadd.s32 @!p1 $0xFFFFC000  }
0x7c: {  	[tilespmem:s19], [sflag:$0x5] =	stream.indirect.gather [hbm4b:s3+s12], $0x40, s11, s12, $0xb8;
	[tilespmem:$0x17200] =	vst v63  }
0x7d: {  	_ =	swait.ge [sflag:s20], $0x4000  }
0x7e: {  	p0 =	seq.s32 s4, $0xB400;
	[sflag:s20] =	ssyncset.done $0x0  }
0x7f: {  	s5 =	simm.s32 @!p0 $0x6;
	[sflag:s20] =	ssyncadd.s32 $0xFFFFC000  }
0x80: {  	[hbm4b:s15+s2] =	stream.linear.scatter [tilespmem:s14], [sflag:$0x7], $0x4000, $0x38;
	[tilespmem:$0x17200] =	vst v63  }
0x81: {  	_ =	swait.ge @!p0 [sflag:s5], $0x4000  }
0x82: {  	s4 =	sshra.s32 @!p0 s4, $0x2;
	s7 =	simm.s32 @!p0 $0x100;
	[sflag:s5] =	ssyncset.done @!p0 $0x0  }
0x83: {  	s6 =	sadd.s32 @!p0 $0x500, s4;
	[sflag:s5] =	ssyncadd.s32 @!p0 $0xFFFFC000;
	s5 =	simm.s32 @!p0 $0x3200  }
0x84: {  	[tilespmem:s5], [sflag:$0x1] =	stream.indirect.gather @!p0 [hbm4b:s3+s7], $0x40, s6, s7, $0xb8;
	[tilespmem:$0x17200] =	vst v63  }
0x85: {  	_ =	swait.ge [sflag:s21], $0x4000  }
0x86: {  	[sflag:s21] =	ssyncset.done $0x0  }
0x87: {  	s5 =	simm.s32 @!p0 $0x7;
	[sflag:s21] =	ssyncadd.s32 $0xFFFFC000  }
0x88: {  	[hbm4b:s0+s2] =	stream.linear.scatter [tilespmem:s16], [sflag:$0x8], $0x4000, $0x38;
	[tilespmem:$0x17200] =	vst v63  }
0x89: {  	_ =	swait.ge @!p0 [sflag:s5], $0x4000  }
0x8a: {  	[sflag:s5] =	ssyncset.done @!p0 $0x0  }
0x8b: {  	s0 =	sadd.s32 @!p0 $0x600, s4;
	[sflag:s5] =	ssyncadd.s32 @!p0 $0xFFFFC000;
	s5 =	simm.s32 @!p0 $0x7200  }
0x8c: {  	[tilespmem:s5], [sflag:$0x2] =	stream.indirect.gather @!p0 [hbm4b:s3+s7], $0x40, s0, s7, $0xb8;
	[tilespmem:$0x17200] =	vst v63  }
0x8d: {  	_ =	swait.ge [sflag:s22], $0x4000  }
0x8e: {  	[sflag:s22] =	ssyncset.done $0x0  }
0x8f: {  	s0 =	simm.s32 @!p0 $0x8;
	[sflag:s22] =	ssyncadd.s32 $0xFFFFC000  }
0x90: {  	[hbm4b:s1+s2] =	stream.linear.scatter [tilespmem:s17], [sflag:$0x9], $0x4000, $0x38;
	[tilespmem:$0x17200] =	vst v63  }
0x91: {  	_ =	swait.ge @!p0 [sflag:s0], $0x4000  }
0x92: {  	[sflag:s0] =	ssyncset.done @!p0 $0x0  }
0x93: {  	s1 =	sadd.s32 @!p0 $0x700, s4;
	[sflag:s0] =	ssyncadd.s32 @!p0 $0xFFFFC000;
	s0 =	simm.s32 @!p0 $0xB200  }
0x94: {  	[tilespmem:s0], [sflag:$0x3] =	stream.indirect.gather @!p0 [hbm4b:s3+s7], $0x40, s1, s7, $0xb8;
	[tilespmem:$0x17200] =	vst v63  }
0x95: {  	_ =	swait.ge [sflag:s23], $0x4000  }
0x96: {  	[sflag:s23] =	ssyncset.done $0x0  }
0x97: {  	s15 =	simm.s32 $0x6;
	[sflag:s23] =	ssyncadd.s32 $0xFFFFC000  }
0x98: {  	[hbm4b:s31+s2] =	stream.linear.scatter [tilespmem:s19], [sflag:$0xA], $0x4000, $0x38;
	[tilespmem:$0x17200] =	vst v63  }
0x99: {  	_ =	swait.ge [sflag:s15], $0x4000  }
0x9a: {  	[sflag:s15] =	ssyncset.done $0x0  }
0x9b: {  	s25 =	simm.s32 $0x7;
	[sflag:s15] =	ssyncadd.s32 $0xFFFFC000  }
0x9c: {  	_ =	swait.ge [sflag:s25], $0x4000  }
0x9d: {  	[sflag:s25] =	ssyncset.done $0x0  }
0x9e: {  	s26 =	simm.s32 $0x8;
	[sflag:s25] =	ssyncadd.s32 $0xFFFFC000  }
0x9f: {  	_ =	swait.ge [sflag:s26], $0x4000  }
0xa0: {  	[sflag:s26] =	ssyncset.done $0x0  }
0xa1: {  	s28 =	simm.s32 $0x9;
	[sflag:s26] =	ssyncadd.s32 $0xFFFFC000  }
0xa2: {  	_ =	swait.ge [sflag:s28], $0x4000  }
0xa3: {  	[sflag:s28] =	ssyncset.done $0x0  }
0xa4: {  	s29 =	simm.s32 $0xA;
	[sflag:s28] =	ssyncadd.s32 $0xFFFFC000  }
0xa5: {  	_ =	swait.ge [sflag:s29], $0x4000  }
0xa6: {  	s30 =	sadd.s32 $0x1, s30;
	s31 =	rddreg [dreg:$0x3]  }
0xa7: {  	p0 =	sne.s32 s30, s31  }
.Ltmp1:
0xa8: {  	_ = 	snop;
	(pc) =	sbr.rel @p0 .LBB2_1-.Ltmp1, $3  }
0xa9: {  	_ =	sdelay $0x1  }
0xaa: {  	[sflag:s29] =	ssyncset.done $0x0  }
0xab: {  	[sflag:s29] =	ssyncadd.s32 $0xFFFFC000  }
0xac: {  	_ =	sfence.sel $0x180000  }
0xad: {  	[bflag:$0x0] =	sbarrier.arrive $0xFFFF  }
0xae: {  	_ =	strace $0x90000047  }
0xaf: {  	s0 =	stileid.u32;
	[bflag:$0x2] =	sbarrier.arrive $0xFFFF  }
0xb0: {  	p0 =	sne.s32 s0, $0x0;
	s0 =	rddreg [dreg:$0x1]  }
0xb1: {  	s0 =	sadd.s32 @!p0 $0x100000, s0  }
0xb2: {  	[sflag:s0] =	ssyncadd.tile.s32 @!p0 $0x1;
	_ =	shalt  }
.Lfunc_end2:
_tile_overlayer_lowered:
.L_overlay_start_2:
0xb3: {  	(tag) =	ssettag $0x2  }
0xb4: {  	s0 =	rddreg [dreg:$0x0];
	s2 =	stileid.u32  }
0xb5: {  	s1 =	rddreg [dreg:$0x1];
	p0 =	sne.s32 s2, $0x0  }
0xb6: {  	s3 =	rddreg [dreg:$0x2];
	[bflag:$0x3] =	sbarrier.arrive $0xFFFF;
	s2 =	simm.s32 @!p0 $0x1C0B  }
0xb7: {  	[timem:s3], [sflag:s2] =	dma.local @!p0 [hbm:s0], s1  }
0xb8: {  	s0 =	simm.s32 @!p0 $0xB  }
0xb9: {  	_ =	swait.ge @!p0 [sflag:s0], s1  }
0xba: {  	s1 =	ssub.s32 @!p0 $0x0, s1;
	[sflag:s0] =	ssyncset.done @!p0 $0x0  }
0xbb: {  	[sflag:s0] =	ssyncadd.s32 @!p0 s1  }
0xbc: {  	[bflag:$0x3] =	sbarrier.arrive $0xFFFF  }
0xbd: {  	_ =	shalt  }

// kernel: kernel.9.cloned.1.call-start
scs
__scs_entry_jumppad:
0x0: {  	(pc) =	sbr.rel $0x88, $3  }
0x1: {  	(tag) =	ssettag $0x0;
	lr =	simm.s32 $0x1  }
0x2: {  	[smem:$0x3F9D] =	sst lr;
	_ =	strace $0xD0000000  }
0x3: {  	_ = 	snop  }
0x4: {  	_ = 	snop  }
0x5: {  	_ = 	snop  }
0x6: {  	_ = 	snop  }
0x7: {  	_ = 	snop  }
__scs_overlays_trampoline_lowered:
0x8: {  	[smem:$0x3FAC] =	sst s0  }
0x9: {  	[smem:$0x3FAD] =	sst s1  }
0xa: {  	[smem:$0x3FAE] =	sst s2  }
0xb: {  	[smem:$0x3FAF] =	sst s3  }
0xc: {  	[smem:$0x3FB0] =	sst s4  }
0xd: {  	[smem:$0x3FB1] =	sst s5  }
0xe: {  	[smem:$0x3FB2] =	sst s6  }
0xf: {  	[smem:$0x3FB3] =	sst s7  }
0x10: {  	[smem:$0x3FB4] =	sst s8  }
0x11: {  	[smem:$0x3FB5] =	sst s9;
	s0 =	simm.s32 @!p0 $0x0  }
0x12: {  	s1 =	sld [smem:$0x3F9B];
	s0 =	simm.s32 @p0 $0x1  }
0x13: {  	[smem:$0x3FB6] =	sst s0;
	s0 =	simm.s32 @!p1 $0x0  }
0x14: {  	s2 =	sld [smem:$0x3F9A];
	s0 =	simm.s32 @p1 $0x1  }
0x15: {  	[smem:$0x3FB7] =	sst s0;
	s0 =	simm.s32 @!p2 $0x0  }
0x16: {  	s3 =	sld [smem:$0x3FDB];
	s0 =	simm.s32 @p2 $0x1  }
0x17: {  	s4 =	simm.s32 $0x1BF5;
	[smem:$0x3FB9] =	sst s0  }
0x18: {  	s0 =	sld [smem:$0x3F9C];
	_ =	swait.ge [sflag:s4], $0x0  }
0x19: {  	s7 =	sld [smem:$0x3F9D]  }
0x1a: {  	s8 =	sadd.s32 $0xFFFFE003, lr  }
0x1b: {  	s9 =	sadd.s32 $0xFFFFFEF7, lr;
	s5 =	simm.s32 $0xFFFFFFFF;
	p2 =	slt.u32 s8, $0xFFFFF086  }
0x1c: {  	p1 =	slt.u32 s9, $0xF7A;
	s5 =	simm.s32 @!p2 $0x0  }
0x1d: {  	s5 =	simm.s32 @p1 $0x1;
	p0 =	seq.s32 s7, s2  }
0x1e: {  	s7 =	smul.u32 @!p0 $0xF7A, s2;
	p2 =	seq.s32 @!p0 s5, $0x0  }
0x1f: {  	s9 =	smul.u32 $0xF7A, s1;
	s8 =	simm.s32 @!p0 $0x1BF5;
	p2 =	por !p2, p0  }
0x20: {  	[sflag:s8] =	ssyncset.s32 @!p0 $0xFFFFF086;
	s6 =	sadd.s32 @!p0 s3, s7;
	s7 =	simm.s32 @!p0 $0x108  }
0x21: {  	s3 =	sadd.s32 s3, s9;
	s6 =	sadd.s32 @!p0 $0x88, s6;
	s7 =	simm.s32 @p2 $0x1082  }
0x22: {  	[simem:s7], [sflag:s8] =	dma.local @!p0 [hbm:s6], $0xF7A  }
0x23: {  	s9 =	sor.u32 $0xD0000000, s2;
	s6 =	simm.s32 $0x108;
	_ =	swait.ge @!p0 [sflag:s8], $0x0  }
0x24: {  	s3 =	sadd.s32 $0x88, s3;
	s6 =	simm.s32 @!p1 $0x1082;
	[sflag:s4] =	ssyncset.s32 $0xFFFFF086  }
0x25: {  	[simem:s6], [sflag:s4] =	dma.local [hbm:s3], $0xF7A  }
0x26: {  	[smem:$0x3F9D] =	sst s1;
	(tag) =	ssettag s2;
	_ =	strace s9  }
0x27: {  	s1 =	sld [smem:$0x3FAD]  }
0x28: {  	s2 =	sld [smem:$0x3FAE]  }
0x29: {  	s4 =	sld [smem:$0x3FB0]  }
0x2a: {  	p0 =	seq.s32 s5, $0x0;
	s5 =	sld [smem:$0x3FB1]  }
0x2b: {  	s6 =	sld [smem:$0x3FB2]  }
0x2c: {  	s7 =	sld [smem:$0x3FB3]  }
0x2d: {  	s3 =	simm.s32 $0x108;
	s8 =	sld [smem:$0x3FB4]  }
0x2e: {  	s3 =	simm.s32 @!p0 $0x1082;
	s9 =	sld [smem:$0x3FB5]  }
0x2f: {  	lr =	sadd.s32 s0, s3;
	s0 =	sld [smem:$0x3FAC]  }
0x30: {  	s3 =	sld [smem:$0x3FAF]  }
0x31: {  	[smem:$0x3FB8] =	sst s10  }
0x32: {  	s10 =	sld [smem:$0x3FB6];
	_ =	sdelay $0x3  }
0x33: {  	p0 =	seq.s32 s10, $0x1;
	s10 =	sld [smem:$0x3FB8];
	_ =	sdelay $0x3  }
0x34: {  	[smem:$0x3FB8] =	sst s10  }
0x35: {  	s10 =	sld [smem:$0x3FB7];
	_ =	sdelay $0x3  }
0x36: {  	p1 =	seq.s32 s10, $0x1;
	s10 =	sld [smem:$0x3FB8];
	_ =	sdelay $0x3  }
0x37: {  	[smem:$0x3FB8] =	sst s10  }
0x38: {  	s10 =	sld [smem:$0x3FB9]  }
0x39: {  	_ = 	snop;
	(pc) =	sbr.ind lr, $3  }
0x3a: {  	_ = 	snop  }
0x3b: {  	_ = 	snop  }
0x3c: {  	p2 =	seq.s32 s10, $0x1;
	s10 =	sld [smem:$0x3FB8]  }
0x3d: {  	_ =	shalt  }
0x3e: {  	_ =	shalt  }
0x3f: {  	_ =	shalt  }
0x40: {  	_ =	shalt  }
0x41: {  	_ =	shalt  }
0x42: {  	_ =	shalt  }
0x43: {  	_ =	shalt  }
0x44: {  	_ =	shalt  }
0x45: {  	_ =	shalt  }
0x46: {  	_ =	shalt  }
0x47: {  	_ =	shalt  }
0x48: {  	_ =	shalt  }
0x49: {  	_ =	shalt  }
0x4a: {  	_ =	shalt  }
0x4b: {  	_ =	shalt  }
0x4c: {  	_ =	shalt  }
0x4d: {  	_ =	shalt  }
0x4e: {  	_ =	shalt  }
0x4f: {  	_ =	shalt  }
0x50: {  	_ =	shalt  }
0x51: {  	_ =	shalt  }
0x52: {  	_ =	shalt  }
0x53: {  	_ =	shalt  }
0x54: {  	_ =	shalt  }
0x55: {  	_ =	shalt  }
0x56: {  	_ =	shalt  }
0x57: {  	_ =	shalt  }
0x58: {  	_ =	shalt  }
0x59: {  	_ =	shalt  }
0x5a: {  	_ =	shalt  }
0x5b: {  	_ =	shalt  }
0x5c: {  	_ =	shalt  }
0x5d: {  	_ =	shalt  }
0x5e: {  	_ =	shalt  }
0x5f: {  	_ =	shalt  }
0x60: {  	_ =	shalt  }
0x61: {  	_ =	shalt  }
0x62: {  	_ =	shalt  }
0x63: {  	_ =	shalt  }
0x64: {  	_ =	shalt  }
0x65: {  	_ =	shalt  }
0x66: {  	_ =	shalt  }
0x67: {  	_ =	shalt  }
0x68: {  	_ =	shalt  }
0x69: {  	_ =	shalt  }
0x6a: {  	_ =	shalt  }
0x6b: {  	_ =	shalt  }
0x6c: {  	_ =	shalt  }
0x6d: {  	_ =	shalt  }
0x6e: {  	_ =	shalt  }
0x6f: {  	_ =	shalt  }
0x70: {  	_ =	shalt  }
0x71: {  	_ =	shalt  }
0x72: {  	_ =	shalt  }
0x73: {  	_ =	shalt  }
0x74: {  	_ =	shalt  }
0x75: {  	_ =	shalt  }
0x76: {  	_ =	shalt  }
0x77: {  	_ =	shalt  }
0x78: {  	_ =	shalt  }
0x79: {  	_ =	shalt  }
0x7a: {  	_ =	shalt  }
0x7b: {  	_ =	shalt  }
0x7c: {  	_ =	shalt  }
0x7d: {  	_ =	shalt  }
0x7e: {  	_ =	shalt  }
0x7f: {  	_ =	shalt  }
0x80: {  	_ =	shalt  }
0x81: {  	_ =	shalt  }
0x82: {  	_ =	shalt  }
0x83: {  	_ =	shalt  }
0x84: {  	_ =	shalt  }
0x85: {  	_ =	shalt  }
0x86: {  	_ =	shalt  }
0x87: {  	_ =	shalt  }
.Lfunc_end0:
.L_simem_size_0:
called_computation.2_lowered:
.L_overlay_start_0:
0x88: {  	s2 =	sld [smem:$0x3FD9]  }
0x89: {  	s3 =	sld [smem:$0x3FFE];
	_ =	sdelay $0x1  }
0x8a: {  	s1 =	srdreg.scid  }
0x8b: {  	s0 =	sand.u32 $0x1, s1  }
0x8c: {  	s17 =	sshll.u32 s0, $0xA;
	s2 =	sadd.s32 s3, s2  }
0x8d: {  	s2 =	sadd.s32 s2, s17  }
0x8e: {  	[smem:$0x3FC4] =	sst s2  }
0x8f: {  	_ = 	snop  }
0x90: {  	(tm) =	ssettm $0x1  }
0x91: {  	s18 =	sld [smem:$0x3FFB];
	_ =	sdelay $0x3  }
0x92: {  	_ =	strace s18  }
0x93: {  	s2 =	sld [smem:$0x3FFC];
	_ =	sdelay $0x3  }
0x94: {  	_ =	strace s2  }
0x95: {  	s2 =	sld [smem:$0x3FFD];
	_ =	sdelay $0x3  }
0x96: {  	_ =	strace s2  }
0x97: {  	_ =	strace $0x8FFFFFFF  }
0x98: {  	s19 =	sld [smem:$0x3FDB];
	_ =	sdelay $0x1  }
0x99: {  	s20 =	simm.s32 $_scs_section_size  }
0x9a: {  	s4 =	simm.s32 $_size__tile_overlayer_lowered;
	s5 =	simm.s32 $_tile_overlayer_lowered  }
0x9b: {  	s6 =	simm.s32 $0x1BFF;
	s21 =	sshll.u32 s5, $0x1;
	s3 =	sadd.s32 s20, s19  }
0x9c: {  	s22 =	simm.s32 $0x0;
	s4 =	sshll.u32 s4, $0x1;
	s5 =	sadd.s32 s21, s3  }
0x9d: {  	[timem:s22], [sflag:s6] =	dma.local [hbm:s5], s4  }
0x9e: {  	_ =	swait.ge [sflag:s6], s4  }
0x9f: {  	s4 =	ssub.s32 $0x0, s4;
	[sflag:s6] =	ssyncset.done $0x0  }
0xa0: {  	[sflag:s6] =	ssyncadd.s32 s4;
	_ =	sdelay $0x1  }
0xa1: {  	s23 =	simm.s32 $0x1B8B  }
0xa2: {  	_ =	swait.ge [sflag:s23], $0x1  }
0xa3: {  	[sflag:s23] =	ssyncset.done $0x0  }
0xa4: {  	[sflag:s23] =	ssyncadd.s32 $0xFFFFFFFF  }
0xa5: {  	s4 =	sld [smem:$0x0]  }
0xa6: {  	s5 =	sand.u32 $0xFFFFFFFE, s1  }
0xa7: {  	p0 =	sne.s32 s1, s5  }
0xa8: {  	s5 =	sshll.u32 @p0 s5, $0xE  }
0xa9: {  	s5 =	sadd.s32 @p0 $0x11B8D, s5;
	s6 =	sshll.u32 @p0 s4, $0x11  }
0xaa: {  	s5 =	sor.u32 @p0 s6, s5  }
0xab: {  	[sflag:s5] =	ssyncadd.remote.s32 @p0 $0x1;
	_ =	sdelay $0x1  }
0xac: {  	s5 =	simm.s32 @p0 $0x1B8D  }
0xad: {  	_ =	swait.eq @p0 [sflag:s5], $0x1  }
0xae: {  	[sflag:s5] =	ssyncadd.s32 @p0 $0xFFFFFFFF  }
0xaf: {  	s6 =	sshll.u32 @!p0 s1, $0xE  }
0xb0: {  	s6 =	sor.u32 @!p0 $0x4000, s6;
	s5 =	simm.s32 @!p0 $0x1B8D  }
0xb1: {  	s4 =	sshll.u32 @!p0 s4, $0x11;
	s6 =	sadd.s32 @!p0 $0x11B8D, s6;
	_ =	swait.eq @!p0 [sflag:s5], $0x1  }
0xb2: {  	s4 =	sor.u32 @!p0 s4, s6;
	[sflag:s5] =	ssyncadd.s32 @!p0 $0xFFFFFFFF  }
0xb3: {  	s25 =	simm.s32 $0x1B8E;
	s24 =	sld [smem:$0x3FFE];
	[sflag:s4] =	ssyncadd.remote.s32 @!p0 $0x1  }
0xb4: {  	s26 =	simm.s32 $execute0_lowered;
	[smem:$0x3FD2] =	sst s25  }
0xb5: {  	s5 =	sshll.u32 s26, $0x1;
	_ =	strace $0x80000049;
	[dreg:$0x1] =	wrdreg $0xFFFFFFFF  }
0xb6: {  	s28 =	simm.s32 $_size_execute0_lowered;
	s3 =	sadd.s32 s3, s5;
	[dreg:$0x0] =	wrdreg $0x0  }
0xb7: {  	s5 =	sshll.u32 s28, $0x1;
	[dreg:$0x2] =	wrdreg s3  }
0xb8: {  	[dreg:$0x3] =	wrdreg s5  }
0xb9: {  	[dreg:$0x4] =	wrdreg $0xC0  }
0xba: {  	_ =	task [dreg:s22], $0x5FFFF  }
0xbb: {  	[dreg:$0x1] =	wrdreg $0xFFFFFFFF  }
0xbc: {  	[dreg:$0x0] =	wrdreg $0x60  }
0xbd: {  	[dreg:$0x2] =	wrdreg s24  }
0xbe: {  	[dreg:$0x3] =	wrdreg $0xA  }
0xbf: {  	_ =	task.clear_ibuf [dreg:s22], $0x4FFFF;
	_ =	strace $0x90000049  }
0xc0: {  	s29 =	simm.s32 $0xA;
	_ =	strace $0x8000004B  }
0xc1: {  	_ =	swait.ge [sflag:s29], $0x1  }
0xc2: {  	[sflag:s29] =	ssyncadd.s32 $0xFFFFFFFF  }
0xc3: {  	_ =	strace $0x9000004B  }
0xc4: {  	_ =	sfence  }
0xc5: {  	s30 =	sld [smem:$0x0];
	_ =	sdelay $0x2  }
0xc6: {  	s31 =	sshll.u32 s1, $0xD;
	s1 =	sshrl.u32 s1, $0x2  }
0xc7: {  	s4 =	sand.u32 $0x4000, s31;
	s1 =	sadd.s32 s1, s30  }
0xc8: {  	s0 =	sor.u32 s4, s0;
	s1 =	sshll.u32 s1, $0x11  }
0xc9: {  	s0 =	sor.u32 s1, s0  }
0xca: {  	s0 =	sadd.s32 $0x8F2B, s0  }
0xcb: {  	[sflag:s0] =	ssyncadd.remote.s32 $0x1  }
0xcc: {  	_ =	sfence.sel $0xFFFF  }
0xcd: {  	[dreg:$0x0] =	wrdreg $0xFFFFFFFF;
	(pc) =	sbr.abs _section_cstart, $3  }
0xce: {  	[dreg:$0x1] =	wrdreg $0xFFFFFFFF  }
0xcf: {  	_ =	task.clear_ibuf [dreg:s22], $0x2FFFF;
	_ =	strace $0x9FFFFFFF  }
0xd0: {  	(tm) =	ssettm $0x7FFFFFFF  }
0xd1: {  	_ =	shalt  }
tec
execute0_lowered:
.L_overlay_start_1:
0x0: {  	(tag) =	ssettag $0x1  }
0x1: {  	s0 =	srdreg.scid  }
0x2: {  	s9 =	stileid.u32;
	s4 =	rddreg [dreg:$0x0];
	s2 =	simm.s32 $0x0  }
0x3: {  	s12 =	simm.s32 $0x100;
	s13 =	simm.s32 $0x3200;
	s14 =	simm.s32 $0x7200  }
0x4: {  	s16 =	simm.s32 $0xB200;
	s17 =	simm.s32 $0xF200;
	s5 =	smul.u32 $0x6400, s9  }
0x5: {  	s18 =	simm.s32 $0x1;
	s19 =	simm.s32 $0x13200;
	s22 =	smul.u32 $0x190000, s9  }
0x6: {  	s0 =	sand.u32 $0x1, s0;
	s1 =	sshll.u32 s9, $0x1;
	s9 =	smul.u32 $0x32000, s9  }
0x7: {  	s20 =	simm.s32 $0x2;
	s30 =	simm.s32 $0x0;
	s6 =	smul.u32 $0x3200, s0  }
0x8: {  	[smem:$0x7FF] =	sst s2;
	s3 =	sadd.s32 $0xF44000, s4;
	s24 =	smul.u32 $0xC8000, s0  }
0x9: {  	s1 =	sor.u32 s0, s1;
	s7 =	ssub.s32 $0x2, s0;
	s0 =	smul.u32 $0x19000, s0  }
0xa: {  	_ =	strace $0x8000004A;
	s1 =	smul.u32 $0x3200, s1;
	s8 =	sshrl.u32 s7, $0x1  }
0xb: {  	s5 =	sadd.s32 s6, s5;
	s21 =	ssub.s32 s7, s8;
	s26 =	sadd.s32 s24, s22  }
0xc: {  	s22 =	simm.s32 $0x4;
	s1 =	sshrl.u32 s1, $0x3;
	s5 =	sshll.u32 s5, $0x3  }
0xd: {  	s6 =	smax.u32 s21, $0x1;
	s29 =	sadd.s32 $0x10000, s26;
	s21 =	simm.s32 $0x3  }
0xe: {  	s1 =	sadd.s32 s1, s4;
	s4 =	sadd.s32 $0x33AC00, s4;
	[dreg:$0x3] =	wrdreg s6  }
0xf: {  	s31 =	sshrl.u32 s29, $0x3;
	s1 =	sadd.s32 $0x32E400, s1;
	s23 =	sadd.s32 s5, s4  }
0x10: {  	s28 =	sadd.s32 s9, s4;
	[dreg:$0x2] =	wrdreg s1;
	s1 =	sadd.s32 $0x800, s23  }
0x11: {  	s24 =	sadd.s32 s31, s4;
	[dreg:$0x5] =	wrdreg s1;
	s1 =	sadd.s32 $0xC000, s26  }
0x12: {  	s25 =	sadd.s32 $0x1000, s23;
	s8 =	sadd.s32 s0, s28;
	s1 =	sshrl.u32 s1, $0x3  }
0x13: {  	s23 =	simm.s32 $0x5;
	[dreg:$0x4] =	wrdreg s25;
	s10 =	sadd.s32 s1, s4  }
.LBB2_1:
0x14: {  	s0 =	rddreg [dreg:$0x2];
	s26 =	simm.s32 $0xB  }
0x15: {  	[tilespmem:s2], [sflag:$0xB] =	stream.linear.gather [hbm4b:s0+s2], $0x3200, $0x38;
	[tilespmem:$0x17200] =	vst v63  }
0x16: {  	_ =	swait.ge [sflag:s26], $0x3200  }
0x17: {  	[sflag:s26] =	ssyncset.done $0x0  }
0x18: {  	[sflag:s26] =	ssyncadd.s32 $0xFFFFCE00  }
0x19: {  	[tilespmem:s13], [sflag:$0x1] =	stream.indirect.gather [hbm4b:s3+s12], $0x40, s2, s12, $0xb8;
	[tilespmem:$0x17200] =	vst v63  }
0x1a: {  	p0 =	por $0x1, $0x1  }
0x1b: {  	[tilespmem:s14], [sflag:$0x2] =	stream.indirect.gather [hbm4b:s3+s12], $0x40, s12, s12, $0xb8;
	[tilespmem:$0x17200] =	vst v63  }
0x1c: {  	s28 =	simm.s32 $0x200;
	s0 =	simm.s32 @!p0 $0x9  }
0x1d: {  	[tilespmem:s16], [sflag:$0x3] =	stream.indirect.gather [hbm4b:s3+s12], $0x40, s28, s12, $0xb8;
	[tilespmem:$0x17200] =	vst v63  }
0x1e: {  	_ =	swait.ge @!p0 [sflag:s0], $0x4000  }
0x1f: {  	[sflag:s0] =	ssyncset.done @!p0 $0x0  }
0x20: {  	s1 =	simm.s32 $0x300;
	[sflag:s0] =	ssyncadd.s32 @!p0 $0xFFFFC000  }
0x21: {  	[tilespmem:s17], [sflag:$0x4] =	stream.indirect.gather [hbm4b:s3+s12], $0x40, s1, s12, $0xb8;
	[tilespmem:$0x17200] =	vst v63  }
0x22: {  	_ =	swait.ge [sflag:s18], $0x4000  }
0x23: {  	[sflag:s18] =	ssyncset.done $0x0  }
0x24: {  	s0 =	simm.s32 @!p0 $0xA;
	[sflag:s18] =	ssyncadd.s32 $0xFFFFC000  }
0x25: {  	[hbm4b:s8+s2] =	stream.linear.scatter [tilespmem:s13], [sflag:$0x6], $0x4000, $0x38;
	[tilespmem:$0x17200] =	vst v63  }
0x26: {  	_ =	swait.ge @!p0 [sflag:s0], $0x4000  }
0x27: {  	[sflag:s0] =	ssyncset.done @!p0 $0x0  }
0x28: {  	s29 =	simm.s32 $0x400;
	[sflag:s0] =	ssyncadd.s32 @!p0 $0xFFFFC000  }
0x29: {  	[tilespmem:s19], [sflag:$0x5] =	stream.indirect.gather [hbm4b:s3+s12], $0x40, s29, s12, $0xb8;
	[tilespmem:$0x17200] =	vst v63  }
0x2a: {  	_ =	swait.ge [sflag:s20], $0x4000  }
0x2b: {  	p0 =	por $0x0, $0x0;
	[sflag:s20] =	ssyncset.done $0x0  }
0x2c: {  	s0 =	simm.s32 @!p0 $0x6;
	s7 =	rddreg [dreg:$0x5];
	[sflag:s20] =	ssyncadd.s32 $0xFFFFC000  }
0x2d: {  	[hbm4b:s7+s2] =	stream.linear.scatter [tilespmem:s14], [sflag:$0x7], $0x4000, $0x38;
	[tilespmem:$0x17200] =	vst v63  }
0x2e: {  	_ =	swait.ge @!p0 [sflag:s0], $0x4000  }
0x2f: {  	s1 =	simm.s32 @!p0 $0x500;
	[sflag:s0] =	ssyncset.done @!p0 $0x0  }
0x30: {  	s5 =	simm.s32 @!p0 $0x100;
	s4 =	simm.s32 @!p0 $0x3200;
	[sflag:s0] =	ssyncadd.s32 @!p0 $0xFFFFC000  }
0x31: {  	[tilespmem:s4], [sflag:$0x1] =	stream.indirect.gather @!p0 [hbm4b:s3+s5], $0x40, s1, s5, $0xb8;
	[tilespmem:$0x17200] =	vst v63  }
0x32: {  	_ =	swait.ge [sflag:s21], $0x4000  }
0x33: {  	[sflag:s21] =	ssyncset.done $0x0  }
0x34: {  	s0 =	simm.s32 @!p0 $0x7;
	s6 =	rddreg [dreg:$0x4];
	[sflag:s21] =	ssyncadd.s32 $0xFFFFC000  }
0x35: {  	[hbm4b:s6+s2] =	stream.linear.scatter [tilespmem:s16], [sflag:$0x8], $0x4000, $0x38;
	[tilespmem:$0x17200] =	vst v63  }
0x36: {  	_ =	swait.ge @!p0 [sflag:s0], $0x4000  }
0x37: {  	[sflag:s0] =	ssyncset.done @!p0 $0x0  }
0x38: {  	s1 =	simm.s32 @!p0 $0x600;
	s4 =	simm.s32 @!p0 $0x7200;
	[sflag:s0] =	ssyncadd.s32 @!p0 $0xFFFFC000  }
0x39: {  	[tilespmem:s4], [sflag:$0x2] =	stream.indirect.gather @!p0 [hbm4b:s3+s5], $0x40, s1, s5, $0xb8;
	[tilespmem:$0x17200] =	vst v63  }
0x3a: {  	_ =	swait.ge [sflag:s22], $0x4000  }
0x3b: {  	[sflag:s22] =	ssyncset.done $0x0  }
0x3c: {  	s0 =	simm.s32 @!p0 $0x8;
	[sflag:s22] =	ssyncadd.s32 $0xFFFFC000  }
0x3d: {  	[hbm4b:s10+s2] =	stream.linear.scatter [tilespmem:s17], [sflag:$0x9], $0x4000, $0x38;
	[tilespmem:$0x17200] =	vst v63  }
0x3e: {  	s11 =	simm.s32 $0x2800;
	s31 =	sadd.s32 $0x2800, s24;
	_ =	swait.ge @!p0 [sflag:s0], $0x4000  }
0x3f: {  	p1 =	por $0x0, $0x0;
	s9 =	simm.s32 @!p0 $0x700;
	[sflag:s0] =	ssyncset.done @!p0 $0x0  }
0x40: {  	s15 =	simm.s32 @!p0 $0xB200;
	s4 =	simm.s32 $0x1400;
	[sflag:s0] =	ssyncadd.s32 @!p0 $0xFFFFC000  }
0x41: {  	[tilespmem:s15], [sflag:$0x3] =	stream.indirect.gather @!p0 [hbm4b:s3+s5], $0x40, s9, s5, $0xb8;
	[tilespmem:$0x17200] =	vst v63  }
0x42: {  	s1 =	sadd.s32 $0x2800, s10;
	s0 =	sadd.s32 $0x2800, s6;
	s15 =	sadd.s32 $0x2800, s7  }
0x43: {  	s5 =	sadd.s32 $0x2800, s8;
	s9 =	smov.u32 s24;
	_ =	swait.ge [sflag:s23], $0x4000  }
.LBB2_2:
0x44: {  	s25 =	simm.s32 @!p1 $0x9  }
0x45: {  	[sflag:s23] =	ssyncset.done $0x0;
	s26 =	smov.u32 s11;
	s11 =	sadd.s32 $0x1400, s11  }
0x46: {  	p0 =	sne.s32 s11, $0xC800;
	[sflag:s23] =	ssyncadd.s32 $0xFFFFC000  }
0x47: {  	[hbm4b:s9+s2] =	stream.linear.scatter [tilespmem:s19], [sflag:$0xA], $0x4000, $0x38;
	[tilespmem:$0x17200] =	vst v63  }
0x48: {  	s28 =	sshra.s32 s4, $0x2;
	s9 =	smov.u32 s31;
	_ =	swait.ge @!p1 [sflag:s25], $0x4000  }
0x49: {  	s29 =	sadd.s32 $0x300, s28;
	[sflag:s25] =	ssyncset.done @!p1 $0x0  }
0x4a: {  	[sflag:s25] =	ssyncadd.s32 @!p1 $0xFFFFC000  }
0x4b: {  	[tilespmem:s17], [sflag:$0x4] =	stream.indirect.gather [hbm4b:s3+s12], $0x40, s29, s12, $0xb8;
	[tilespmem:$0x17200] =	vst v63  }
0x4c: {  	_ =	swait.ge [sflag:s18], $0x4000  }
0x4d: {  	s25 =	simm.s32 @!p1 $0xA;
	[sflag:s18] =	ssyncset.done $0x0  }
0x4e: {  	[sflag:s18] =	ssyncadd.s32 $0xFFFFC000  }
0x4f: {  	[hbm4b:s5+s2] =	stream.linear.scatter [tilespmem:s13], [sflag:$0x6], $0x4000, $0x38;
	[tilespmem:$0x17200] =	vst v63  }
0x50: {  	_ =	swait.ge @!p1 [sflag:s25], $0x4000  }
0x51: {  	s28 =	sadd.s32 $0x400, s28;
	[sflag:s25] =	ssyncset.done @!p1 $0x0  }
0x52: {  	[sflag:s25] =	ssyncadd.s32 @!p1 $0xFFFFC000  }
0x53: {  	[tilespmem:s19], [sflag:$0x5] =	stream.indirect.gather [hbm4b:s3+s12], $0x40, s28, s12, $0xb8;
	[tilespmem:$0x17200] =	vst v63  }
0x54: {  	_ =	swait.ge [sflag:s20], $0x4000  }
0x55: {  	p1 =	seq.s32 s4, $0xB400;
	[sflag:s20] =	ssyncset.done $0x0  }
0x56: {  	s25 =	simm.s32 @!p1 $0x6;
	s4 =	sshra.s32 @!p1 s4, $0x2;
	[sflag:s20] =	ssyncadd.s32 $0xFFFFC000  }
0x57: {  	[hbm4b:s15+s2] =	stream.linear.scatter [tilespmem:s14], [sflag:$0x7], $0x4000, $0x38;
	[tilespmem:$0x17200] =	vst v63  }
0x58: {  	s28 =	sadd.s32 @!p1 $0x500, s4;
	s29 =	sadd.s32 @!p1 $0x600, s4;
	_ =	swait.ge @!p1 [sflag:s25], $0x4000  }
0x59: {  	s6 =	simm.s32 @!p1 $0x100;
	s7 =	simm.s32 @!p1 $0x3200;
	[sflag:s25] =	ssyncset.done @!p1 $0x0  }
0x5a: {  	[sflag:s25] =	ssyncadd.s32 @!p1 $0xFFFFC000;
	s25 =	sadd.s32 @!p1 $0x700, s4;
	s4 =	smov.u32 s26  }
0x5b: {  	[tilespmem:s7], [sflag:$0x1] =	stream.indirect.gather @!p1 [hbm4b:s3+s6], $0x40, s28, s6, $0xb8;
	[tilespmem:$0x17200] =	vst v63  }
0x5c: {  	_ =	swait.ge [sflag:s21], $0x4000  }
0x5d: {  	[sflag:s21] =	ssyncset.done $0x0  }
0x5e: {  	s7 =	simm.s32 @!p1 $0x7;
	[sflag:s21] =	ssyncadd.s32 $0xFFFFC000  }
0x5f: {  	[hbm4b:s0+s2] =	stream.linear.scatter [tilespmem:s16], [sflag:$0x8], $0x4000, $0x38;
	[tilespmem:$0x17200] =	vst v63  }
0x60: {  	_ =	swait.ge @!p1 [sflag:s7], $0x4000  }
0x61: {  	s26 =	simm.s32 @!p1 $0x7200;
	[sflag:s7] =	ssyncset.done @!p1 $0x0  }
0x62: {  	[sflag:s7] =	ssyncadd.s32 @!p1 $0xFFFFC000  }
0x63: {  	[tilespmem:s26], [sflag:$0x2] =	stream.indirect.gather @!p1 [hbm4b:s3+s6], $0x40, s29, s6, $0xb8;
	[tilespmem:$0x17200] =	vst v63  }
0x64: {  	_ =	swait.ge [sflag:s22], $0x4000  }
0x65: {  	[sflag:s22] =	ssyncset.done $0x0  }
0x66: {  	s7 =	simm.s32 @!p1 $0x8;
	[sflag:s22] =	ssyncadd.s32 $0xFFFFC000  }
0x67: {  	[hbm4b:s1+s2] =	stream.linear.scatter [tilespmem:s17], [sflag:$0x9], $0x4000, $0x38;
	[tilespmem:$0x17200] =	vst v63  }
.Ltmp0:
0x68: {  	s1 =	sadd.s32 $0x2800, s1;
	_ =	swait.ge @!p1 [sflag:s7], $0x4000;
	(pc) =	sbr.rel @p0 .LBB2_2-.Ltmp0, $4  }
0x69: {  	s31 =	sadd.s32 $0x2800, s31;
	s26 =	simm.s32 @!p1 $0xB200;
	[sflag:s7] =	ssyncset.done @!p1 $0x0  }
0x6a: {  	s5 =	sadd.s32 $0x2800, s5;
	s15 =	sadd.s32 $0x2800, s15;
	[sflag:s7] =	ssyncadd.s32 @!p1 $0xFFFFC000  }
0x6b: {  	[tilespmem:s26], [sflag:$0x3] =	stream.indirect.gather @!p1 [hbm4b:s3+s6], $0x40, s25, s6, $0xb8;
	[tilespmem:$0x17200] =	vst v63  }
0x6c: {  	s0 =	sadd.s32 $0x2800, s0;
	p1 =	seq.s32 s4, $0x0;
	_ =	swait.ge [sflag:s23], $0x4000  }
0x6d: {  	[sflag:s23] =	ssyncset.done $0x0  }
0x6e: {  	s6 =	simm.s32 @!p1 $0x9;
	[sflag:s23] =	ssyncadd.s32 $0xFFFFC000  }
0x6f: {  	[hbm4b:s9+s2] =	stream.linear.scatter [tilespmem:s19], [sflag:$0xA], $0x4000, $0x38;
	[tilespmem:$0x17200] =	vst v63  }
0x70: {  	_ =	swait.ge @!p1 [sflag:s6], $0x4000  }
0x71: {  	s7 =	sshra.s32 s4, $0x2;
	[sflag:s6] =	ssyncset.done @!p1 $0x0  }
0x72: {  	s9 =	sadd.s32 $0x300, s7;
	[sflag:s6] =	ssyncadd.s32 @!p1 $0xFFFFC000  }
0x73: {  	[tilespmem:s17], [sflag:$0x4] =	stream.indirect.gather [hbm4b:s3+s12], $0x40, s9, s12, $0xb8;
	[tilespmem:$0x17200] =	vst v63  }
0x74: {  	_ =	swait.ge [sflag:s18], $0x4000  }
0x75: {  	[sflag:s18] =	ssyncset.done $0x0  }
0x76: {  	[sflag:s18] =	ssyncadd.s32 $0xFFFFC000  }
0x77: {  	[hbm4b:s5+s2] =	stream.linear.scatter [tilespmem:s13], [sflag:$0x6], $0x4000, $0x38;
	[tilespmem:$0x17200] =	vst v63  }
0x78: {  	s5 =	simm.s32 @!p1 $0xA  }
0x79: {  	_ =	swait.ge @!p1 [sflag:s5], $0x4000  }
0x7a: {  	[sflag:s5] =	ssyncset.done @!p1 $0x0  }
0x7b: {  	s11 =	sadd.s32 $0x400, s7;
	[sflag:s5] =	ssyncadd.s32 @!p1 $0xFFFFC000  }
0x7c: {  	[tilespmem:s19], [sflag:$0x5] =	stream.indirect.gather [hbm4b:s3+s12], $0x40, s11, s12, $0xb8;
	[tilespmem:$0x17200] =	vst v63  }
0x7d: {  	_ =	swait.ge [sflag:s20], $0x4000  }
0x7e: {  	p0 =	seq.s32 s4, $0xB400;
	[sflag:s20] =	ssyncset.done $0x0  }
0x7f: {  	s5 =	simm.s32 @!p0 $0x6;
	[sflag:s20] =	ssyncadd.s32 $0xFFFFC000  }
0x80: {  	[hbm4b:s15+s2] =	stream.linear.scatter [tilespmem:s14], [sflag:$0x7], $0x4000, $0x38;
	[tilespmem:$0x17200] =	vst v63  }
0x81: {  	_ =	swait.ge @!p0 [sflag:s5], $0x4000  }
0x82: {  	s4 =	sshra.s32 @!p0 s4, $0x2;
	s7 =	simm.s32 @!p0 $0x100;
	[sflag:s5] =	ssyncset.done @!p0 $0x0  }
0x83: {  	s6 =	sadd.s32 @!p0 $0x500, s4;
	[sflag:s5] =	ssyncadd.s32 @!p0 $0xFFFFC000;
	s5 =	simm.s32 @!p0 $0x3200  }
0x84: {  	[tilespmem:s5], [sflag:$0x1] =	stream.indirect.gather @!p0 [hbm4b:s3+s7], $0x40, s6, s7, $0xb8;
	[tilespmem:$0x17200] =	vst v63  }
0x85: {  	_ =	swait.ge [sflag:s21], $0x4000  }
0x86: {  	[sflag:s21] =	ssyncset.done $0x0  }
0x87: {  	s5 =	simm.s32 @!p0 $0x7;
	[sflag:s21] =	ssyncadd.s32 $0xFFFFC000  }
0x88: {  	[hbm4b:s0+s2] =	stream.linear.scatter [tilespmem:s16], [sflag:$0x8], $0x4000, $0x38;
	[tilespmem:$0x17200] =	vst v63  }
0x89: {  	_ =	swait.ge @!p0 [sflag:s5], $0x4000  }
0x8a: {  	[sflag:s5] =	ssyncset.done @!p0 $0x0  }
0x8b: {  	s0 =	sadd.s32 @!p0 $0x600, s4;
	[sflag:s5] =	ssyncadd.s32 @!p0 $0xFFFFC000;
	s5 =	simm.s32 @!p0 $0x7200  }
0x8c: {  	[tilespmem:s5], [sflag:$0x2] =	stream.indirect.gather @!p0 [hbm4b:s3+s7], $0x40, s0, s7, $0xb8;
	[tilespmem:$0x17200] =	vst v63  }
0x8d: {  	_ =	swait.ge [sflag:s22], $0x4000  }
0x8e: {  	[sflag:s22] =	ssyncset.done $0x0  }
0x8f: {  	s0 =	simm.s32 @!p0 $0x8;
	[sflag:s22] =	ssyncadd.s32 $0xFFFFC000  }
0x90: {  	[hbm4b:s1+s2] =	stream.linear.scatter [tilespmem:s17], [sflag:$0x9], $0x4000, $0x38;
	[tilespmem:$0x17200] =	vst v63  }
0x91: {  	_ =	swait.ge @!p0 [sflag:s0], $0x4000  }
0x92: {  	[sflag:s0] =	ssyncset.done @!p0 $0x0  }
0x93: {  	s1 =	sadd.s32 @!p0 $0x700, s4;
	[sflag:s0] =	ssyncadd.s32 @!p0 $0xFFFFC000;
	s0 =	simm.s32 @!p0 $0xB200  }
0x94: {  	[tilespmem:s0], [sflag:$0x3] =	stream.indirect.gather @!p0 [hbm4b:s3+s7], $0x40, s1, s7, $0xb8;
	[tilespmem:$0x17200] =	vst v63  }
0x95: {  	_ =	swait.ge [sflag:s23], $0x4000  }
0x96: {  	[sflag:s23] =	ssyncset.done $0x0  }
0x97: {  	s15 =	simm.s32 $0x6;
	[sflag:s23] =	ssyncadd.s32 $0xFFFFC000  }
0x98: {  	[hbm4b:s31+s2] =	stream.linear.scatter [tilespmem:s19], [sflag:$0xA], $0x4000, $0x38;
	[tilespmem:$0x17200] =	vst v63  }
0x99: {  	_ =	swait.ge [sflag:s15], $0x4000  }
0x9a: {  	[sflag:s15] =	ssyncset.done $0x0  }
0x9b: {  	s25 =	simm.s32 $0x7;
	[sflag:s15] =	ssyncadd.s32 $0xFFFFC000  }
0x9c: {  	_ =	swait.ge [sflag:s25], $0x4000  }
0x9d: {  	[sflag:s25] =	ssyncset.done $0x0  }
0x9e: {  	s26 =	simm.s32 $0x8;
	[sflag:s25] =	ssyncadd.s32 $0xFFFFC000  }
0x9f: {  	_ =	swait.ge [sflag:s26], $0x4000  }
0xa0: {  	[sflag:s26] =	ssyncset.done $0x0  }
0xa1: {  	s28 =	simm.s32 $0x9;
	[sflag:s26] =	ssyncadd.s32 $0xFFFFC000  }
0xa2: {  	_ =	swait.ge [sflag:s28], $0x4000  }
0xa3: {  	[sflag:s28] =	ssyncset.done $0x0  }
0xa4: {  	s29 =	simm.s32 $0xA;
	[sflag:s28] =	ssyncadd.s32 $0xFFFFC000  }
0xa5: {  	_ =	swait.ge [sflag:s29], $0x4000  }
0xa6: {  	s30 =	sadd.s32 $0x1, s30;
	s31 =	rddreg [dreg:$0x3]  }
0xa7: {  	p0 =	sne.s32 s30, s31  }
.Ltmp1:
0xa8: {  	_ = 	snop;
	(pc) =	sbr.rel @p0 .LBB2_1-.Ltmp1, $3  }
0xa9: {  	_ =	sdelay $0x1  }
0xaa: {  	[sflag:s29] =	ssyncset.done $0x0  }
0xab: {  	[sflag:s29] =	ssyncadd.s32 $0xFFFFC000  }
0xac: {  	_ =	sfence.sel $0x180000  }
0xad: {  	[bflag:$0x0] =	sbarrier.arrive $0xFFFF  }
0xae: {  	_ =	strace $0x9000004A  }
0xaf: {  	s0 =	stileid.u32;
	[bflag:$0x2] =	sbarrier.arrive $0xFFFF  }
0xb0: {  	p0 =	sne.s32 s0, $0x0;
	s0 =	rddreg [dreg:$0x1]  }
0xb1: {  	s0 =	sadd.s32 @!p0 $0x100000, s0  }
0xb2: {  	[sflag:s0] =	ssyncadd.tile.s32 @!p0 $0x1;
	_ =	shalt  }
.Lfunc_end2:
_tile_overlayer_lowered:
.L_overlay_start_2:
0xb3: {  	(tag) =	ssettag $0x2  }
0xb4: {  	s0 =	rddreg [dreg:$0x0];
	s2 =	stileid.u32  }
0xb5: {  	s1 =	rddreg [dreg:$0x1];
	p0 =	sne.s32 s2, $0x0  }
0xb6: {  	s3 =	rddreg [dreg:$0x2];
	[bflag:$0x3] =	sbarrier.arrive $0xFFFF;
	s2 =	simm.s32 @!p0 $0x1C0B  }
0xb7: {  	[timem:s3], [sflag:s2] =	dma.local @!p0 [hbm:s0], s1  }
0xb8: {  	s0 =	simm.s32 @!p0 $0xB  }
0xb9: {  	_ =	swait.ge @!p0 [sflag:s0], s1  }
0xba: {  	s1 =	ssub.s32 @!p0 $0x0, s1;
	[sflag:s0] =	ssyncset.done @!p0 $0x0  }
0xbb: {  	[sflag:s0] =	ssyncadd.s32 @!p0 s1  }
0xbc: {  	[bflag:$0x3] =	sbarrier.arrive $0xFFFF  }
0xbd: {  	_ =	shalt  }

// kernel: sparse-core-data-format-call.cloned.1.call-start
scs
called_computation_lowered:
.L_overlay_start_0:
0x0: {  	s2 =	sld [smem:$0x3FD9]  }
0x1: {  	s3 =	sld [smem:$0x3FFE];
	_ =	sdelay $0x1  }
0x2: {  	s1 =	srdreg.scid  }
0x3: {  	s0 =	sand.u32 $0x1, s1  }
0x4: {  	s18 =	sshll.u32 s0, $0xA;
	s2 =	sadd.s32 s3, s2  }
0x5: {  	s2 =	sadd.s32 s2, s18  }
0x6: {  	[smem:$0x3FC4] =	sst s2  }
0x7: {  	_ = 	snop  }
0x8: {  	s2 =	sld [smem:$0x3FD0];
	(tm) =	ssettm $0x1  }
0x9: {  	s19 =	sld [smem:$0x3FFB];
	_ =	sdelay $0x3  }
0xa: {  	_ =	strace s19  }
0xb: {  	s3 =	sld [smem:$0x3FFC];
	_ =	sdelay $0x3  }
0xc: {  	_ =	strace s3  }
0xd: {  	s3 =	sld [smem:$0x3FFD];
	_ =	sdelay $0x3  }
0xe: {  	_ =	strace s3  }
0xf: {  	_ =	strace $0x8FFFFFFF  }
0x10: {  	s20 =	sld [smem:$0x3FDB];
	_ =	sdelay $0x1  }
0x11: {  	s4 =	simm.s32 $_scs_section_size  }
0x12: {  	s5 =	simm.s32 $_size__tile_overlayer_lowered;
	s6 =	simm.s32 $_tile_overlayer_lowered  }
0x13: {  	s23 =	simm.s32 $0x1BFF;
	s22 =	sshll.u32 s6, $0x1;
	s3 =	sadd.s32 s4, s20  }
0x14: {  	s7 =	simm.s32 $0x0;
	s21 =	sshll.u32 s5, $0x1;
	s5 =	sadd.s32 s22, s3  }
0x15: {  	[timem:s7], [sflag:s23] =	dma.local [hbm:s5], s21  }
0x16: {  	_ =	swait.ge [sflag:s23], s21  }
0x17: {  	s4 =	ssub.s32 $0x0, s21;
	[sflag:s23] =	ssyncset.done $0x0  }
0x18: {  	[sflag:s23] =	ssyncadd.s32 s4;
	_ =	sdelay $0x1  }
0x19: {  	s24 =	simm.s32 $0x1B8B  }
0x1a: {  	_ =	swait.ge [sflag:s24], $0x1  }
0x1b: {  	[sflag:s24] =	ssyncset.done $0x0  }
0x1c: {  	s26 =	simm.s32 $0x1B8E;
	s25 =	sld [smem:$0x3FFE];
	[sflag:s24] =	ssyncadd.s32 $0xFFFFFFFF  }
0x1d: {  	s27 =	simm.s32 $execute0_lowered;
	[smem:$0x3FD2] =	sst s26  }
0x1e: {  	s5 =	sshll.u32 s27, $0x1;
	_ =	strace $0x8000004C;
	[dreg:$0x1] =	wrdreg $0xFFFFFFFF  }
0x1f: {  	s28 =	simm.s32 $_size_execute0_lowered;
	s3 =	sadd.s32 s3, s5;
	[dreg:$0x0] =	wrdreg $0x0  }
0x20: {  	s5 =	sshll.u32 s28, $0x1;
	[dreg:$0x2] =	wrdreg s3  }
0x21: {  	[dreg:$0x3] =	wrdreg s5  }
0x22: {  	[dreg:$0x4] =	wrdreg $0xC0  }
0x23: {  	_ =	task [dreg:s7], $0x5FFFF  }
0x24: {  	[dreg:$0x1] =	wrdreg $0xFFFFFFFF  }
0x25: {  	[dreg:$0x0] =	wrdreg $0x60  }
0x26: {  	[dreg:$0x2] =	wrdreg s25  }
0x27: {  	[dreg:$0x3] =	wrdreg s2  }
0x28: {  	[dreg:$0x4] =	wrdreg $0x9  }
0x29: {  	_ =	task.clear_ibuf [dreg:s7], $0x5FFFF;
	_ =	strace $0x9000004C  }
0x2a: {  	s29 =	simm.s32 $0x9;
	_ =	strace $0x8000004E  }
0x2b: {  	_ =	swait.ge [sflag:s29], $0x1  }
0x2c: {  	[sflag:s29] =	ssyncadd.s32 $0xFFFFFFFF  }
0x2d: {  	_ =	strace $0x9000004E  }
0x2e: {  	_ =	sfence  }
0x2f: {  	s30 =	sld [smem:$0x0];
	_ =	sdelay $0x2  }
0x30: {  	s31 =	sshll.u32 s1, $0xD;
	s1 =	sshrl.u32 s1, $0x2  }
0x31: {  	s3 =	sand.u32 $0x4000, s31;
	s1 =	sadd.s32 s1, s30  }
0x32: {  	s0 =	sor.u32 s3, s0;
	s1 =	sshll.u32 s1, $0x11  }
0x33: {  	s0 =	sor.u32 s1, s0  }
0x34: {  	s0 =	sadd.s32 $0x8F2B, s0  }
0x35: {  	[sflag:s0] =	ssyncadd.remote.s32 $0x1  }
0x36: {  	_ =	sfence.sel $0xFFFF  }
0x37: {  	[dreg:$0x0] =	wrdreg $0xFFFFFFFF;
	(pc) =	sbr.abs _section_cstart, $3  }
0x38: {  	[dreg:$0x1] =	wrdreg $0xFFFFFFFF  }
0x39: {  	_ =	task.clear_ibuf [dreg:s7], $0x2FFFF;
	_ =	strace $0x9FFFFFFF  }
0x3a: {  	(tm) =	ssettm $0x7FFFFFFF  }
0x3b: {  	_ =	shalt  }
tec
execute0_lowered:
.L_overlay_start_1:
0x0: {  	(tag) =	ssettag $0x1  }
0x1: {  	s0 =	srdreg.scid  }
0x2: {  	s1 =	sshll.u32 s0, $0x4  }
0x3: {  	s0 =	stileid.u32;
	s1 =	sand.u32 $0x10, s1  }
0x4: {  	s1 =	sor.u32 s0, s1  }
0x5: {  	s6 =	rddreg [dreg:$0x0];
	s4 =	simm.s32 $0x1;
	s2 =	sshll.u32 s1, $0x7  }
0x6: {  	s7 =	simm.s32 $0x2;
	s12 =	simm.s32 $0x0;
	s1 =	ssub.s32 $0x1000, s2  }
0x7: {  	s8 =	simm.s32 $0x8000;
	s13 =	simm.s32 $0x0;
	s3 =	sand.u32 $0xF80, s1  }
0x8: {  	s9 =	simm.s32 $0x0;
	s5 =	sshrl.u32 s1, $0xC;
	p0 =	sne.s32 s3, $0x0  }
.Ltmp0:
0x9: {  	s1 =	rddreg [dreg:$0x2];
	s4 =	simm.s32 @!p0 $0x0;
	(pc) =	sbr.rel .LBB1_1-.Ltmp0, $4  }
0xa: {  	s11 =	simm.s32 $0x0;
	s3 =	rddreg [dreg:$0x1];
	s5 =	sadd.s32 s4, s5  }
0xb: {  	_ =	strace $0x8000004D;
	s4 =	simm.s32 $0x1;
	s5 =	smul.u32 $0xC8, s5  }
0xc: {  	s6 =	sadd.s32 $0xC81C00, s6;
	s10 =	smov.u32 s2;
	[sflag:s4] =	ssyncpa.u1 $0x0  }
0xd: {  	p0 =	por $0x0, $0x0;
	[sflag:s7] =	ssyncpa.u1 $0x0;
	s7 =	sor.u32 $0x1, s5  }
.LBB1_4:
0xe: {  	s16 =	sshll.u32 s13, $0x3;
	s17 =	sand.u32 $0x78, s13  }
0xf: {  	s30 =	sand.u32 $0x7E00, s13;
	s12 =	sshll.u32 s12, $0xF;
	s16 =	sand.u32 $0xC00, s16  }
0x10: {  	[tilespmem:s15+$0x810 ss:$0x81] =	vst.msk $0xffff, v2;
	s31 =	sand.u32 $0x7, s13;
	s16 =	sor.u32 s17, s16;
	s17 =	sadd.s32 s3, s30  }
0x11: {  	[tilespmem:s15+$0x1020 ss:$0x81] =	vst.msk $0xffff, v0;
	s13 =	sshll.u32 s31, $0x12;
	s12 =	sadd.s32 s12, s17;
	s16 =	sshrl.u32 s16, $0x3  }
0x12: {  	[tilespmem:s15+$0x0 ss:$0x81] =	vst.msk $0xffff, v1;
	s13 =	sor.u32 $0x400, s13;
	s12 =	sadd.s32 s16, s12  }
0x13: {  	[hbm4b:s12+s13] =	stream.strided.scatter [tilespmem:s14], [sflag:$0x2], $0x2000, s8, s13, $0x20;
	[tilespmem:$0x8080] =	vst v63  }
.LBB1_5:
0x14: {  	s14 =	sadd.s32 $0x1, s9  }
0x15: {  	s12 =	sadd.s32 $0x1000, s10;
	s16 =	smov.u32 s10;
	p2 =	sgt.s32 s14, $0xC7  }
0x16: {  	s16 =	smov.u32 @p2 s12  }
0x17: {  	s14 =	simm.s32 @p2 $0x0;
	p2 =	sgt.s32 s16, $0xFFF  }
0x18: {  	s16 =	smov.u32 @p2 s2;
	p2 =	sne.s32 s11, s7  }
.Ltmp1:
0x19: {  	p1 =	slt.u32 s11, $0x2;
	(pc) =	sbr.rel @!p2 .LBB1_6-.Ltmp1, $4  }
0x1a: {  	s15 =	simm.s32 @!p1 $0x2  }
0x1b: {  	s13 =	smov.u32 s10;
	p0 =	por !p0, !p0;
	_ =	swait.ge @!p1 [sflag:s15], $0x2000  }
0x1c: {  	s12 =	smov.u32 s9;
	[sflag:s15] =	ssyncset.done @!p1 $0x0;
	s9 =	smov.u32 s14  }
0x1d: {  	s11 =	sadd.s32 $0x1, s11;
	[sflag:s15] =	ssyncadd.s32 @!p1 $0xFFFFE000;
	s10 =	smov.u32 s16  }
.LBB1_1:
0x1e: {  	p1 =	sge.u32 s11, s5  }
0x1f: {  	s14 =	sand.u32 @!p1 $0x1FFFFFF, s9  }
0x20: {  	s15 =	smulhi.u32 @!p1 $0x147AE15, s14;
	_ =	sdelay $0x1  }
0x21: {  	s15 =	smul.u32 @!p1 $0xC8, s15  }
0x22: {  	s16 =	sxor.u32 @!p1 $0xFFFFFFFF, s11;
	s17 =	smul.u32 @!p1 $0xC80, s10  }
0x23: {  	s31 =	sadd.s32 $0xFFFFFFFF, s11;
	s16 =	sshll.u32 @!p1 s16, $0xD;
	s14 =	ssub.s32 @!p1 s14, s15  }
0x24: {  	s15 =	sand.u32 @!p1 $0x2000, s16;
	s16 =	sadd.s32 @!p1 s6, s17;
	s14 =	sshll.u32 @!p1 s14, $0x4  }
0x25: {  	s17 =	simm.s32 @!p1 $0x6400;
	s14 =	sadd.s32 @!p1 s14, s16;
	s16 =	simm.s32 @!p1 $0x40  }
0x26: {  	[tilespmem:s15], [sflag:$0x1] =	stream.strided.gather @!p1 [hbm4b:s14+s16], $0x2000, s17, s16, $0x38;
	[tilespmem:$0x8080] =	vst v63  }
0x27: {  	p1 =	sge.u32 s31, s5  }
.Ltmp2:
0x28: {  	_ = 	snop;
	(pc) =	sbr.rel @p1 .LBB1_5-.Ltmp2, $1  }
0x29: {  	_ =	sdelay $0x3  }
0x2a: {  	s14 =	simm.s32 $0x1  }
0x2b: {  	_ =	swait.ge [sflag:s4], $0x2000;
	s14 =	simm.s32 @!p0 $0x0  }
0x2c: {  	[sflag:s4] =	ssyncset.done $0x0;
	s15 =	sshll.u32 s14, $0xD  }
0x2d: {  	[sflag:s4] =	ssyncadd.s32 $0xFFFFE000;
	s18 =	sor.u32 $0x20, s15  }
0x2e: {  	s14 =	smul.u32 $0x8100, s14;
	v3 =	vld [tilespmem:s18+$0x10]  }
0x2f: {  	s30 =	sand.u32 $0x1, s11;
	v2 =	vld [tilespmem:s18+$0xFFFFFFF0]  }
0x30: {  	s15 =	smul.u32 $0x8100, s30;
	s14 =	sshrl.u32 s14, $0x2;
	v0 =	vld [tilespmem:s18+$0x0]  }
0x31: {  	v1 =	vld [tilespmem:s18+$0xFFFFFFE0];
	s16 =	sor.u32 $0x4000, s14  }
0x32: {  	s31 =	sshrl.u32 s15, $0x2;
	s15 =	sadd.s32 $0x0, s16  }
0x33: {  	s17 =	simm.s32 $0x4;
	s18 =	sadd.s32 $0x40, s18;
	s14 =	sor.u32 $0x4000, s31;
	[tilespmem:s15+$0x1830 ss:$0x81] =	vst.msk $0xffff, v3  }
.LBB1_3:
0x34: {  	v3 =	vld [tilespmem:s18+$0x10];
	p1 =	sne.s32 s17, $0x1FC;
	[tilespmem:s15+$0x810 ss:$0x81] =	vst.msk $0xffff, v2;
	s19 =	smov.u32 s17;
	s17 =	sadd.s32 $0x4, s17  }
.Ltmp3:
0x35: {  	v2 =	vld [tilespmem:s18+$0xFFFFFFF0];
	[tilespmem:s15+$0x1020 ss:$0x81] =	vst.msk $0xffff, v0;
	(pc) =	sbr.rel @p1 .LBB1_3-.Ltmp3, $4  }
0x36: {  	v0 =	vld [tilespmem:s18+$0x0];
	[tilespmem:s15+$0x0 ss:$0x81] =	vst.msk $0xffff, v1  }
0x37: {  	s15 =	sshra.s32 s19, $0x2;
	v1 =	vld [tilespmem:s18+$0xFFFFFFE0]  }
0x38: {  	s15 =	sadd.s32 s15, s16  }
0x39: {  	s18 =	sadd.s32 $0x40, s18;
	[tilespmem:s15+$0x1830 ss:$0x81] =	vst.msk $0xffff, v3  }
.Ltmp4:
0x3a: {  	_ = 	snop;
	(pc) =	sbr.rel .LBB1_4-.Ltmp4, $1  }
0x3b: {  	_ =	sdelay $0x3  }
.LBB1_6:
0x3c: {  	_ =	sfence.sel $0x180000  }
0x3d: {  	s2 =	simm.s32 $0x1;
	[bflag:$0x0] =	sbarrier.arrive $0xFFFF  }
0x3e: {  	s31 =	simm.s32 $0x2;
	[sflag:s2] =	ssyncpa.u1 $0x1  }
0x3f: {  	[sflag:s31] =	ssyncpa.u1 $0x1  }
0x40: {  	p0 =	sne.s32 s0, $0x0;
	_ =	strace $0x9000004D  }
0x41: {  	s0 =	sadd.s32 @!p0 $0x100000, s1;
	[bflag:$0x2] =	sbarrier.arrive $0xFFFF  }
0x42: {  	[sflag:s0] =	ssyncadd.tile.s32 @!p0 $0x1;
	_ =	shalt  }
.Lfunc_end1:
_tile_overlayer_lowered:
.L_overlay_start_2:
0x43: {  	(tag) =	ssettag $0x2  }
0x44: {  	s0 =	rddreg [dreg:$0x0];
	s2 =	stileid.u32  }
0x45: {  	s1 =	rddreg [dreg:$0x1];
	p0 =	sne.s32 s2, $0x0  }
0x46: {  	s3 =	rddreg [dreg:$0x2];
	[bflag:$0x3] =	sbarrier.arrive $0xFFFF;
	s2 =	simm.s32 @!p0 $0x1C01  }
0x47: {  	[timem:s3], [sflag:s2] =	dma.local @!p0 [hbm:s0], s1  }
0x48: {  	s0 =	simm.s32 @!p0 $0x1  }
0x49: {  	_ =	swait.ge @!p0 [sflag:s0], s1  }
0x4a: {  	s1 =	ssub.s32 @!p0 $0x0, s1;
	[sflag:s0] =	ssyncset.done @!p0 $0x0  }
0x4b: {  	[sflag:s0] =	ssyncadd.s32 @!p0 s1  }
0x4c: {  	[bflag:$0x3] =	sbarrier.arrive $0xFFFF  }
0x4d: {  	_ =	shalt  }

</sc_bundles>
